<compile_context>
chip_gen: v7x
topology: tpu7x:2x2x1
jax: 0.10.2.dev20260603
libtpu: 0.0.44.dev20260713+nightly
codegen_flags: <defaults>
</compile_context>

<pallas_src>
import functools

import jax
import jax.numpy as jnp
from jax import lax
from jax.experimental import pallas as pl
from jax.experimental.pallas import tpu as pltpu
from jax.experimental.pallas import tpu_sc as plsc

N, C, D, H, W = 2, 32, 16, 56, 56
OD, OH, OW = 32, 112, 112
ROWS = N * C
IN_LEN = D * H * W
OUT_LEN = OD * OH * OW
TOT_IN = ROWS * IN_LEN
TOT_OUT = ROWS * OUT_LEN
NSEG = 256
SEGLEN = TOT_OUT // NSEG
CH = 8192
PADN = TOT_IN + CH + 16
NW = 32
SEG_PER_W = NSEG // NW
SENTINEL = 1 << 30


def _sc_unpool_body(sk_hbm, sv_hbm, bounds_hbm, out_hbm, seg_v, kb, vb,
                    bounds_v):
    wid = lax.axis_index("s") * 2 + lax.axis_index("c")
    pltpu.sync_copy(bounds_hbm, bounds_v)
    zeros16 = jnp.zeros((16,), jnp.float32)

    for t in range(SEG_PER_W):
        task = wid * SEG_PER_W + t
        lo = task * SEGLEN
        bv = bounds_v[pl.ds(task, 16)]
        b0 = bv[0]
        b1 = bv[1]
        astart = b0 & ~7

        def zbody(i, carry):
            seg_v[pl.ds(i * 16, 16)] = zeros16
            return carry

        lax.fori_loop(0, SEGLEN // 16, zbody, 0)

        def chunk_cond(c):
            return astart + c * CH < b1

        def chunk_body(c):
            base = pl.multiple_of(astart + c * CH, 8)
            pltpu.sync_copy(sk_hbm.at[pl.ds(base, CH + 16)], kb)
            pltpu.sync_copy(sv_hbm.at[pl.ds(base, CH)], vb)

            def sbody(i, carry):
                j = i * 16
                cur = kb[pl.ds(j, 16)]
                nxt = kb[pl.ds(j + 1, 16)]
                vv = vb[pl.ds(j, 16)]
                li = cur - lo
                in_seg = plsc.bitcast(li, jnp.uint32) < jnp.uint32(SEGLEN)
                keep = (cur != nxt) & in_seg
                plsc.store_scatter(seg_v, [li], vv, mask=keep)
                return carry

            lax.fori_loop(0, CH // 16, sbody, 0)
            return c + 1

        lax.while_loop(chunk_cond, chunk_body, 0)
        pltpu.sync_copy(seg_v, out_hbm.at[pl.ds(lo, SEGLEN)])


_sc_unpool = functools.partial(
    pl.kernel,
    mesh=plsc.VectorSubcoreMesh(core_axis_name="c", subcore_axis_name="s"),
    out_type=jax.ShapeDtypeStruct((TOT_OUT,), jnp.float32),
    compiler_params=pltpu.CompilerParams(needs_layout_passes=False),
    scratch_types=[
        pltpu.VMEM((SEGLEN,), jnp.float32),
        pltpu.VMEM((CH + 16,), jnp.int32),
        pltpu.VMEM((CH,), jnp.float32),
        pltpu.VMEM((280,), jnp.int32),
    ],
)(_sc_unpool_body)


def kernel(input, indices):
    vals = input.reshape(TOT_IN)
    idx = indices.reshape(ROWS, IN_LEN).astype(jnp.int32)
    rows = jnp.arange(ROWS, dtype=jnp.int32)[:, None]
    keys = (rows * OUT_LEN + idx).reshape(TOT_IN)
    sk, sv = lax.sort((keys, vals), num_keys=1, is_stable=False)
    bounds = jnp.searchsorted(
        sk, jnp.arange(NSEG + 1, dtype=jnp.int32) * SEGLEN).astype(jnp.int32)
    bounds = jnp.concatenate(
        [bounds, jnp.zeros((280 - (NSEG + 1),), jnp.int32)])
    sk_pad = jnp.concatenate(
        [sk, jnp.full((PADN - TOT_IN,), SENTINEL, jnp.int32)])
    sv_pad = jnp.concatenate([sv, jnp.zeros((PADN - TOT_IN,), jnp.float32)])
    out = _sc_unpool(sk_pad, sv_pad, bounds)
    return out.reshape(N, C, OD, OH, OW)

# --- scband reference (transcript-rebuilt; emitter-appended) ---
"""Pipeline reference for scband-max-unpool3d-3058016715412 (READ-ONLY COPY).

The authoritative reference and input builder live on the scoring server;
editing this copy changes nothing except your own understanding.
"""

import jax, jax.numpy as jnp
import numpy as np

KT, KH, KW = 2, 2, 2
DT, DH, DW = 2, 2, 2
PT, PH, PW = 0, 0, 0


def setup_inputs(seed: int = 0) -> dict:
    key = jax.random.key(seed)
    k1, k2 = jax.random.split(key)
    N, C, D, H, W = 2, 32, 16, 56, 56
    out_d = (D - 1) * DT + KT - 2 * PT
    out_h = (H - 1) * DH + KH - 2 * PH
    out_w = (W - 1) * DW + KW - 2 * PW
    inp = jax.random.normal(k1, (N, C, D, H, W), dtype=jnp.float32)
    indices = jax.random.randint(k2, (N, C, D, H, W), 0, out_d * out_h * out_w, dtype=jnp.int64)
    return {"input": inp, "indices": indices}


def reference(input, indices):
    N, C, D, H, W = input.shape
    out_d = (D - 1) * DT + KT - 2 * PT
    out_h = (H - 1) * DH + KH - 2 * PH
    out_w = (W - 1) * DW + KW - 2 * PW
    spatial_out = out_d * out_h * out_w
    flat_in = input.reshape(N * C, -1)
    flat_idx = indices.reshape(N * C, -1)
    rows = jnp.arange(N * C, dtype=flat_idx.dtype)[:, None]
    out = jnp.zeros((N * C, spatial_out), dtype=input.dtype).at[rows, flat_idx].set(flat_in)
    return out.reshape(N, C, out_d, out_h, out_w)

if __name__ == "__main__":
    import jax
    _d = setup_inputs()
    print(jax.jit(kernel)(*tuple(_d.values())))

</pallas_src>

<mosaic_0001>
#map = affine_map<(d0, d1) -> (0)>
module attributes {stable_mosaic.version = 14 : i64} {
  func.func @_sc_unpool_body(%arg0: i32, %arg1: i32, %arg2: memref<3219472xi32, #tpu.memory_space<hbm>>, %arg3: memref<3219472xf32, #tpu.memory_space<hbm>>, %arg4: memref<280xi32, #tpu.memory_space<hbm>>, %arg5: memref<25690112xf32, #tpu.memory_space<hbm>>, %arg6: memref<100352xf32, #tpu.memory_space<vmem>>, %arg7: memref<8208xi32, #tpu.memory_space<vmem>>, %arg8: memref<8192xf32, #tpu.memory_space<vmem>>, %arg9: memref<280xi32, #tpu.memory_space<vmem>>) attributes {dimension_semantics = [#tpu.dimension_semantics<core_parallel>, #tpu.dimension_semantics<subcore_parallel>], iteration_bounds = array<i64: 2, 16>, scalar_prefetch = 0 : i64, scratch_operands = 4 : i64, tpu.core_type = #tpu.core_type<sc_vector_subcore>, window_params = [{transform_indices = #map}, {transform_indices = #map}, {transform_indices = #map}, {transform_indices = #map}]} {
    %mul3A = arith.constant 2 : i32
    %mul3A_0 = arith.muli %arg1, %mul3A : i32
    %add3A = arith.addi %mul3A_0, %arg0 : i32
    "tpu.region"() ({
      %run_scoped3A = tpu.sem_alloc : memref<!tpu.dma_semaphore, #tpu.memory_space<semaphore_mem>>
      tpu.enqueue_dma source(%arg4 : memref<280xi32, #tpu.memory_space<hbm>>) target(%arg9 : memref<280xi32, #tpu.memory_space<vmem>>) target_semaphore(%run_scoped3A : memref<!tpu.dma_semaphore, #tpu.memory_space<semaphore_mem>>)
      tpu.wait_dma2 semaphore(%run_scoped3A : memref<!tpu.dma_semaphore, #tpu.memory_space<semaphore_mem>>) src(%arg4 : memref<280xi32, #tpu.memory_space<hbm>>) dst(%arg9 : memref<280xi32, #tpu.memory_space<vmem>>)
      tpu.yield
    }) : () -> ()
    %broadcast_in_dim3A = arith.constant 0.000000e+00 : f32
    %broadcast_in_dim3A_1 = vector.broadcast %broadcast_in_dim3A : f32 to vector<16xf32>
    %mul3A_2 = arith.constant 8 : i32
    %mul3A_3 = arith.muli %add3A, %mul3A_2 : i32
    %add3A_4 = arith.constant 0 : i32
    %add3A_5 = arith.addi %mul3A_3, %add3A_4 : i32
    %mul3A_6 = arith.constant 100352 : i32
    %mul3A_7 = arith.muli %add3A_5, %mul3A_6 : i32
    %get3A = arith.index_cast %add3A_5 : i32 to index
    %get3A_8 = tpu.vector_load %arg9[%get3A] {strides = array<i32>} : memref<280xi32, #tpu.memory_space<vmem>>, vector<16xi32>,
    %slice3A = vector.extract_strided_slice %get3A_8 {offsets = [0], sizes = [1], strides = [1]} : vector<16xi32> to vector<1xi32>
    %squeeze3A = vector.extract %slice3A[0] : i32 from vector<1xi32>
    %slice3A_9 = vector.extract_strided_slice %get3A_8 {offsets = [1], sizes = [1], strides = [1]} : vector<16xi32> to vector<1xi32>
    %squeeze3A_10 = vector.extract %slice3A_9[0] : i32 from vector<1xi32>
    %and3A = arith.constant -8 : i32
    %and3A_11 = arith.andi %squeeze3A, %and3A : i32
    %scan3A = arith.constant 0 : i32
    %scan3A_12 = arith.constant 0 : i32
    %scan3A_13 = arith.constant 6272 : i32
    %scan3A_14 = arith.addi %scan3A_12, %scan3A_13 : i32
    %scan3A_15 = arith.constant 1 : i32
    scf.for %scan3A_172 = %scan3A_12 to %scan3A_14 step %scan3A_15  : i32 {
      %mul3A_173 = arith.constant 16 : i32
      %mul3A_174 = arith.muli %scan3A_172, %mul3A_173 : i32
      %swap3A = arith.index_cast %mul3A_174 : i32 to index
      %swap3A_175 = tpu.vector_load %arg6[%swap3A] {strides = array<i32>} : memref<100352xf32, #tpu.memory_space<vmem>>, vector<16xf32>,
      tpu.vector_store %arg6[%swap3A], %broadcast_in_dim3A_1 {strides = array<i32>} : memref<100352xf32, #tpu.memory_space<vmem>>, vector<16xf32>,
    }
    %scan3A_16 = arith.constant 6272 : i32
    %while3A = arith.constant 0 : i32
    %while3A_17 = scf.while (%while3A_172 = %while3A) : (i32) -> i32 {
      %mul3A_173 = arith.constant 8192 : i32
      %mul3A_174 = arith.muli %while3A_172, %mul3A_173 : i32
      %add3A_175 = arith.addi %and3A_11, %mul3A_174 : i32
      %lt3A = arith.cmpi slt, %add3A_175, %squeeze3A_10 : i32
      scf.condition(%lt3A) %while3A_172 : i32
    } do {
    ^bb0(%while3A_172: i32):
      %mul3A_173 = arith.constant 8192 : i32
      %mul3A_174 = arith.muli %while3A_172, %mul3A_173 : i32
      %add3A_175 = arith.addi %and3A_11, %mul3A_174 : i32
      %multiple_of3A = tpu.assume_multiple %add3A_175, 8 : i32
      "tpu.region"() ({
        %run_scoped3A = tpu.sem_alloc : memref<!tpu.dma_semaphore, #tpu.memory_space<semaphore_mem>>
        %dma_start3A = tpu.memref_slice %arg2[%multiple_of3A] : memref<3219472xi32, #tpu.memory_space<hbm>> -> memref<8208xi32, #tpu.memory_space<hbm>>
        %dma_start3A_184 = tpu.memref_slice %arg2[%multiple_of3A] : memref<3219472xi32, #tpu.memory_space<hbm>> -> memref<8208xi32, #tpu.memory_space<hbm>>
        tpu.enqueue_dma source(%dma_start3A_184 : memref<8208xi32, #tpu.memory_space<hbm>>) target(%arg7 : memref<8208xi32, #tpu.memory_space<vmem>>) target_semaphore(%run_scoped3A : memref<!tpu.dma_semaphore, #tpu.memory_space<semaphore_mem>>)
        %dma_wait3A = tpu.memref_slice %arg2[%multiple_of3A] : memref<3219472xi32, #tpu.memory_space<hbm>> -> memref<8208xi32, #tpu.memory_space<hbm>>
        %dma_wait3A_185 = tpu.memref_slice %arg2[%multiple_of3A] : memref<3219472xi32, #tpu.memory_space<hbm>> -> memref<8208xi32, #tpu.memory_space<hbm>>
        tpu.wait_dma2 semaphore(%run_scoped3A : memref<!tpu.dma_semaphore, #tpu.memory_space<semaphore_mem>>) src(%dma_wait3A_185 : memref<8208xi32, #tpu.memory_space<hbm>>) dst(%arg7 : memref<8208xi32, #tpu.memory_space<vmem>>)
        tpu.yield
      }) : () -> ()
      "tpu.region"() ({
        %run_scoped3A = tpu.sem_alloc : memref<!tpu.dma_semaphore, #tpu.memory_space<semaphore_mem>>
        %dma_start3A = tpu.memref_slice %arg3[%multiple_of3A] : memref<3219472xf32, #tpu.memory_space<hbm>> -> memref<8192xf32, #tpu.memory_space<hbm>>
        %dma_start3A_184 = tpu.memref_slice %arg3[%multiple_of3A] : memref<3219472xf32, #tpu.memory_space<hbm>> -> memref<8192xf32, #tpu.memory_space<hbm>>
        tpu.enqueue_dma source(%dma_start3A_184 : memref<8192xf32, #tpu.memory_space<hbm>>) target(%arg8 : memref<8192xf32, #tpu.memory_space<vmem>>) target_semaphore(%run_scoped3A : memref<!tpu.dma_semaphore, #tpu.memory_space<semaphore_mem>>)
        %dma_wait3A = tpu.memref_slice %arg3[%multiple_of3A] : memref<3219472xf32, #tpu.memory_space<hbm>> -> memref<8192xf32, #tpu.memory_space<hbm>>
        %dma_wait3A_185 = tpu.memref_slice %arg3[%multiple_of3A] : memref<3219472xf32, #tpu.memory_space<hbm>> -> memref<8192xf32, #tpu.memory_space<hbm>>
        tpu.wait_dma2 semaphore(%run_scoped3A : memref<!tpu.dma_semaphore, #tpu.memory_space<semaphore_mem>>) src(%dma_wait3A_185 : memref<8192xf32, #tpu.memory_space<hbm>>) dst(%arg8 : memref<8192xf32, #tpu.memory_space<vmem>>)
        tpu.yield
      }) : () -> ()
      %scan3A_176 = arith.constant 0 : i32
      %scan3A_177 = arith.constant 0 : i32
      %scan3A_178 = arith.constant 512 : i32
      %scan3A_179 = arith.addi %scan3A_177, %scan3A_178 : i32
      %scan3A_180 = arith.constant 1 : i32
      scf.for %scan3A_184 = %scan3A_177 to %scan3A_179 step %scan3A_180  : i32 {
        %mul3A_185 = arith.constant 16 : i32
        %mul3A_186 = arith.muli %scan3A_184, %mul3A_185 : i32
        %get3A_187 = arith.index_cast %mul3A_186 : i32 to index
        %get3A_188 = tpu.vector_load %arg7[%get3A_187] {strides = array<i32>} : memref<8208xi32, #tpu.memory_space<vmem>>, vector<16xi32>,
        %add3A_189 = arith.constant 1 : i32
        %add3A_190 = arith.addi %mul3A_186, %add3A_189 : i32
        %get3A_191 = arith.index_cast %add3A_190 : i32 to index
        %get3A_192 = tpu.vector_load %arg7[%get3A_191] {strides = array<i32>} : memref<8208xi32, #tpu.memory_space<vmem>>, vector<16xi32>,
        %get3A_193 = arith.index_cast %mul3A_186 : i32 to index
        %get3A_194 = tpu.vector_load %arg8[%get3A_193] {strides = array<i32>} : memref<8192xf32, #tpu.memory_space<vmem>>, vector<16xf32>,
        %sub3A = vector.broadcast %mul3A_7 : i32 to vector<16xi32>
        %sub3A_195 = arith.subi %get3A_188, %sub3A : vector<16xi32>
        %bitcast3A = vector.bitcast %sub3A_195 : vector<16xi32> to vector<16xi32>
        %lt3A = arith.constant 100352 : i32
        %lt3A_196 = vector.broadcast %lt3A : i32 to vector<16xi32>
        %lt3A_197 = arith.cmpi ult, %bitcast3A, %lt3A_196 : vector<16xi32>
        %ne3A = arith.cmpi ne, %get3A_188, %get3A_192 : vector<16xi32>
        %and3A_198 = arith.andi %ne3A, %lt3A_197 : vector<16xi1>
        tpu.vector_store_idx %arg6[%sub3A_195], %get3A_194 masked %and3A_198 : memref<100352xf32, #tpu.memory_space<vmem>>[vector<16xi32>], vector<16xf32>, vector<16xi1>
      }
      %scan3A_181 = arith.constant 512 : i32
      %add3A_182 = arith.constant 1 : i32
      %add3A_183 = arith.addi %while3A_172, %add3A_182 : i32
      scf.yield %add3A_183 : i32
    }
    "tpu.region"() ({
      %run_scoped3A = tpu.sem_alloc : memref<!tpu.dma_semaphore, #tpu.memory_space<semaphore_mem>>
      %dma_start3A = tpu.memref_slice %arg5[%mul3A_7] : memref<25690112xf32, #tpu.memory_space<hbm>> -> memref<100352xf32, #tpu.memory_space<hbm>>
      %dma_start3A_172 = tpu.memref_slice %arg5[%mul3A_7] : memref<25690112xf32, #tpu.memory_space<hbm>> -> memref<100352xf32, #tpu.memory_space<hbm>>
      tpu.enqueue_dma source(%arg6 : memref<100352xf32, #tpu.memory_space<vmem>>) target(%dma_start3A_172 : memref<100352xf32, #tpu.memory_space<hbm>>) target_semaphore(%run_scoped3A : memref<!tpu.dma_semaphore, #tpu.memory_space<semaphore_mem>>)
      %dma_wait3A = tpu.memref_slice %arg5[%mul3A_7] : memref<25690112xf32, #tpu.memory_space<hbm>> -> memref<100352xf32, #tpu.memory_space<hbm>>
      %dma_wait3A_173 = tpu.memref_slice %arg5[%mul3A_7] : memref<25690112xf32, #tpu.memory_space<hbm>> -> memref<100352xf32, #tpu.memory_space<hbm>>
      tpu.wait_dma2 semaphore(%run_scoped3A : memref<!tpu.dma_semaphore, #tpu.memory_space<semaphore_mem>>) src(%arg6 : memref<100352xf32, #tpu.memory_space<vmem>>) dst(%dma_wait3A_173 : memref<100352xf32, #tpu.memory_space<hbm>>)
      tpu.yield
    }) : () -> ()
    %mul3A_18 = arith.constant 8 : i32
    %mul3A_19 = arith.muli %add3A, %mul3A_18 : i32
    %add3A_20 = arith.constant 1 : i32
    %add3A_21 = arith.addi %mul3A_19, %add3A_20 : i32
    %mul3A_22 = arith.constant 100352 : i32
    %mul3A_23 = arith.muli %add3A_21, %mul3A_22 : i32
    %get3A_24 = arith.index_cast %add3A_21 : i32 to index
    %get3A_25 = tpu.vector_load %arg9[%get3A_24] {strides = array<i32>} : memref<280xi32, #tpu.memory_space<vmem>>, vector<16xi32>,
    %slice3A_26 = vector.extract_strided_slice %get3A_25 {offsets = [0], sizes = [1], strides = [1]} : vector<16xi32> to vector<1xi32>
    %squeeze3A_27 = vector.extract %slice3A_26[0] : i32 from vector<1xi32>
    %slice3A_28 = vector.extract_strided_slice %get3A_25 {offsets = [1], sizes = [1], strides = [1]} : vector<16xi32> to vector<1xi32>
    %squeeze3A_29 = vector.extract %slice3A_28[0] : i32 from vector<1xi32>
    %and3A_30 = arith.constant -8 : i32
    %and3A_31 = arith.andi %squeeze3A_27, %and3A_30 : i32
    %scan3A_32 = arith.constant 0 : i32
    %scan3A_33 = arith.constant 0 : i32
    %scan3A_34 = arith.constant 6272 : i32
    %scan3A_35 = arith.addi %scan3A_33, %scan3A_34 : i32
    %scan3A_36 = arith.constant 1 : i32
    scf.for %scan3A_172 = %scan3A_33 to %scan3A_35 step %scan3A_36  : i32 {
      %mul3A_173 = arith.constant 16 : i32
      %mul3A_174 = arith.muli %scan3A_172, %mul3A_173 : i32
      %swap3A = arith.index_cast %mul3A_174 : i32 to index
      %swap3A_175 = tpu.vector_load %arg6[%swap3A] {strides = array<i32>} : memref<100352xf32, #tpu.memory_space<vmem>>, vector<16xf32>,
      tpu.vector_store %arg6[%swap3A], %broadcast_in_dim3A_1 {strides = array<i32>} : memref<100352xf32, #tpu.memory_space<vmem>>, vector<16xf32>,
    }
    %scan3A_37 = arith.constant 6272 : i32
    %while3A_38 = arith.constant 0 : i32
    %while3A_39 = scf.while (%while3A_172 = %while3A_38) : (i32) -> i32 {
      %mul3A_173 = arith.constant 8192 : i32
      %mul3A_174 = arith.muli %while3A_172, %mul3A_173 : i32
      %add3A_175 = arith.addi %and3A_31, %mul3A_174 : i32
      %lt3A = arith.cmpi slt, %add3A_175, %squeeze3A_29 : i32
      scf.condition(%lt3A) %while3A_172 : i32
    } do {
    ^bb0(%while3A_172: i32):
      %mul3A_173 = arith.constant 8192 : i32
      %mul3A_174 = arith.muli %while3A_172, %mul3A_173 : i32
      %add3A_175 = arith.addi %and3A_31, %mul3A_174 : i32
      %multiple_of3A = tpu.assume_multiple %add3A_175, 8 : i32
      "tpu.region"() ({
        %run_scoped3A = tpu.sem_alloc : memref<!tpu.dma_semaphore, #tpu.memory_space<semaphore_mem>>
        %dma_start3A = tpu.memref_slice %arg2[%multiple_of3A] : memref<3219472xi32, #tpu.memory_space<hbm>> -> memref<8208xi32, #tpu.memory_space<hbm>>
        %dma_start3A_184 = tpu.memref_slice %arg2[%multiple_of3A] : memref<3219472xi32, #tpu.memory_space<hbm>> -> memref<8208xi32, #tpu.memory_space<hbm>>
        tpu.enqueue_dma source(%dma_start3A_184 : memref<8208xi32, #tpu.memory_space<hbm>>) target(%arg7 : memref<8208xi32, #tpu.memory_space<vmem>>) target_semaphore(%run_scoped3A : memref<!tpu.dma_semaphore, #tpu.memory_space<semaphore_mem>>)
        %dma_wait3A = tpu.memref_slice %arg2[%multiple_of3A] : memref<3219472xi32, #tpu.memory_space<hbm>> -> memref<8208xi32, #tpu.memory_space<hbm>>
        %dma_wait3A_185 = tpu.memref_slice %arg2[%multiple_of3A] : memref<3219472xi32, #tpu.memory_space<hbm>> -> memref<8208xi32, #tpu.memory_space<hbm>>
        tpu.wait_dma2 semaphore(%run_scoped3A : memref<!tpu.dma_semaphore, #tpu.memory_space<semaphore_mem>>) src(%dma_wait3A_185 : memref<8208xi32, #tpu.memory_space<hbm>>) dst(%arg7 : memref<8208xi32, #tpu.memory_space<vmem>>)
        tpu.yield
      }) : () -> ()
      "tpu.region"() ({
        %run_scoped3A = tpu.sem_alloc : memref<!tpu.dma_semaphore, #tpu.memory_space<semaphore_mem>>
        %dma_start3A = tpu.memref_slice %arg3[%multiple_of3A] : memref<3219472xf32, #tpu.memory_space<hbm>> -> memref<8192xf32, #tpu.memory_space<hbm>>
        %dma_start3A_184 = tpu.memref_slice %arg3[%multiple_of3A] : memref<3219472xf32, #tpu.memory_space<hbm>> -> memref<8192xf32, #tpu.memory_space<hbm>>
        tpu.enqueue_dma source(%dma_start3A_184 : memref<8192xf32, #tpu.memory_space<hbm>>) target(%arg8 : memref<8192xf32, #tpu.memory_space<vmem>>) target_semaphore(%run_scoped3A : memref<!tpu.dma_semaphore, #tpu.memory_space<semaphore_mem>>)
        %dma_wait3A = tpu.memref_slice %arg3[%multiple_of3A] : memref<3219472xf32, #tpu.memory_space<hbm>> -> memref<8192xf32, #tpu.memory_space<hbm>>
        %dma_wait3A_185 = tpu.memref_slice %arg3[%multiple_of3A] : memref<3219472xf32, #tpu.memory_space<hbm>> -> memref<8192xf32, #tpu.memory_space<hbm>>
        tpu.wait_dma2 semaphore(%run_scoped3A : memref<!tpu.dma_semaphore, #tpu.memory_space<semaphore_mem>>) src(%dma_wait3A_185 : memref<8192xf32, #tpu.memory_space<hbm>>) dst(%arg8 : memref<8192xf32, #tpu.memory_space<vmem>>)
        tpu.yield
      }) : () -> ()
      %scan3A_176 = arith.constant 0 : i32
      %scan3A_177 = arith.constant 0 : i32
      %scan3A_178 = arith.constant 512 : i32
      %scan3A_179 = arith.addi %scan3A_177, %scan3A_178 : i32
      %scan3A_180 = arith.constant 1 : i32
      scf.for %scan3A_184 = %scan3A_177 to %scan3A_179 step %scan3A_180  : i32 {
        %mul3A_185 = arith.constant 16 : i32
        %mul3A_186 = arith.muli %scan3A_184, %mul3A_185 : i32
        %get3A_187 = arith.index_cast %mul3A_186 : i32 to index
        %get3A_188 = tpu.vector_load %arg7[%get3A_187] {strides = array<i32>} : memref<8208xi32, #tpu.memory_space<vmem>>, vector<16xi32>,
        %add3A_189 = arith.constant 1 : i32
        %add3A_190 = arith.addi %mul3A_186, %add3A_189 : i32
        %get3A_191 = arith.index_cast %add3A_190 : i32 to index
        %get3A_192 = tpu.vector_load %arg7[%get3A_191] {strides = array<i32>} : memref<8208xi32, #tpu.memory_space<vmem>>, vector<16xi32>,
        %get3A_193 = arith.index_cast %mul3A_186 : i32 to index
        %get3A_194 = tpu.vector_load %arg8[%get3A_193] {strides = array<i32>} : memref<8192xf32, #tpu.memory_space<vmem>>, vector<16xf32>,
        %sub3A = vector.broadcast %mul3A_23 : i32 to vector<16xi32>
        %sub3A_195 = arith.subi %get3A_188, %sub3A : vector<16xi32>
        %bitcast3A = vector.bitcast %sub3A_195 : vector<16xi32> to vector<16xi32>
        %lt3A = arith.constant 100352 : i32
        %lt3A_196 = vector.broadcast %lt3A : i32 to vector<16xi32>
        %lt3A_197 = arith.cmpi ult, %bitcast3A, %lt3A_196 : vector<16xi32>
        %ne3A = arith.cmpi ne, %get3A_188, %get3A_192 : vector<16xi32>
        %and3A_198 = arith.andi %ne3A, %lt3A_197 : vector<16xi1>
        tpu.vector_store_idx %arg6[%sub3A_195], %get3A_194 masked %and3A_198 : memref<100352xf32, #tpu.memory_space<vmem>>[vector<16xi32>], vector<16xf32>, vector<16xi1>
      }
      %scan3A_181 = arith.constant 512 : i32
      %add3A_182 = arith.constant 1 : i32
      %add3A_183 = arith.addi %while3A_172, %add3A_182 : i32
      scf.yield %add3A_183 : i32
    }
    "tpu.region"() ({
      %run_scoped3A = tpu.sem_alloc : memref<!tpu.dma_semaphore, #tpu.memory_space<semaphore_mem>>
      %dma_start3A = tpu.memref_slice %arg5[%mul3A_23] : memref<25690112xf32, #tpu.memory_space<hbm>> -> memref<100352xf32, #tpu.memory_space<hbm>>
      %dma_start3A_172 = tpu.memref_slice %arg5[%mul3A_23] : memref<25690112xf32, #tpu.memory_space<hbm>> -> memref<100352xf32, #tpu.memory_space<hbm>>
      tpu.enqueue_dma source(%arg6 : memref<100352xf32, #tpu.memory_space<vmem>>) target(%dma_start3A_172 : memref<100352xf32, #tpu.memory_space<hbm>>) target_semaphore(%run_scoped3A : memref<!tpu.dma_semaphore, #tpu.memory_space<semaphore_mem>>)
      %dma_wait3A = tpu.memref_slice %arg5[%mul3A_23] : memref<25690112xf32, #tpu.memory_space<hbm>> -> memref<100352xf32, #tpu.memory_space<hbm>>
      %dma_wait3A_173 = tpu.memref_slice %arg5[%mul3A_23] : memref<25690112xf32, #tpu.memory_space<hbm>> -> memref<100352xf32, #tpu.memory_space<hbm>>
      tpu.wait_dma2 semaphore(%run_scoped3A : memref<!tpu.dma_semaphore, #tpu.memory_space<semaphore_mem>>) src(%arg6 : memref<100352xf32, #tpu.memory_space<vmem>>) dst(%dma_wait3A_173 : memref<100352xf32, #tpu.memory_space<hbm>>)
      tpu.yield
    }) : () -> ()
    %mul3A_40 = arith.constant 8 : i32
    %mul3A_41 = arith.muli %add3A, %mul3A_40 : i32
    %add3A_42 = arith.constant 2 : i32
    %add3A_43 = arith.addi %mul3A_41, %add3A_42 : i32
    %mul3A_44 = arith.constant 100352 : i32
    %mul3A_45 = arith.muli %add3A_43, %mul3A_44 : i32
    %get3A_46 = arith.index_cast %add3A_43 : i32 to index
    %get3A_47 = tpu.vector_load %arg9[%get3A_46] {strides = array<i32>} : memref<280xi32, #tpu.memory_space<vmem>>, vector<16xi32>,
    %slice3A_48 = vector.extract_strided_slice %get3A_47 {offsets = [0], sizes = [1], strides = [1]} : vector<16xi32> to vector<1xi32>
    %squeeze3A_49 = vector.extract %slice3A_48[0] : i32 from vector<1xi32>
    %slice3A_50 = vector.extract_strided_slice %get3A_47 {offsets = [1], sizes = [1], strides = [1]} : vector<16xi32> to vector<1xi32>
    %squeeze3A_51 = vector.extract %slice3A_50[0] : i32 from vector<1xi32>
    %and3A_52 = arith.constant -8 : i32
    %and3A_53 = arith.andi %squeeze3A_49, %and3A_52 : i32
    %scan3A_54 = arith.constant 0 : i32
    %scan3A_55 = arith.constant 0 : i32
    %scan3A_56 = arith.constant 6272 : i32
    %scan3A_57 = arith.addi %scan3A_55, %scan3A_56 : i32
    %scan3A_58 = arith.constant 1 : i32
    scf.for %scan3A_172 = %scan3A_55 to %scan3A_57 step %scan3A_58  : i32 {
      %mul3A_173 = arith.constant 16 : i32
      %mul3A_174 = arith.muli %scan3A_172, %mul3A_173 : i32
      %swap3A = arith.index_cast %mul3A_174 : i32 to index
      %swap3A_175 = tpu.vector_load %arg6[%swap3A] {strides = array<i32>} : memref<100352xf32, #tpu.memory_space<vmem>>, vector<16xf32>,
      tpu.vector_store %arg6[%swap3A], %broadcast_in_dim3A_1 {strides = array<i32>} : memref<100352xf32, #tpu.memory_space<vmem>>, vector<16xf32>,
    }
    %scan3A_59 = arith.constant 6272 : i32
    %while3A_60 = arith.constant 0 : i32
    %while3A_61 = scf.while (%while3A_172 = %while3A_60) : (i32) -> i32 {
      %mul3A_173 = arith.constant 8192 : i32
      %mul3A_174 = arith.muli %while3A_172, %mul3A_173 : i32
      %add3A_175 = arith.addi %and3A_53, %mul3A_174 : i32
      %lt3A = arith.cmpi slt, %add3A_175, %squeeze3A_51 : i32
      scf.condition(%lt3A) %while3A_172 : i32
    } do {
    ^bb0(%while3A_172: i32):
      %mul3A_173 = arith.constant 8192 : i32
      %mul3A_174 = arith.muli %while3A_172, %mul3A_173 : i32
      %add3A_175 = arith.addi %and3A_53, %mul3A_174 : i32
      %multiple_of3A = tpu.assume_multiple %add3A_175, 8 : i32
      "tpu.region"() ({
        %run_scoped3A = tpu.sem_alloc : memref<!tpu.dma_semaphore, #tpu.memory_space<semaphore_mem>>
        %dma_start3A = tpu.memref_slice %arg2[%multiple_of3A] : memref<3219472xi32, #tpu.memory_space<hbm>> -> memref<8208xi32, #tpu.memory_space<hbm>>
        %dma_start3A_184 = tpu.memref_slice %arg2[%multiple_of3A] : memref<3219472xi32, #tpu.memory_space<hbm>> -> memref<8208xi32, #tpu.memory_space<hbm>>
        tpu.enqueue_dma source(%dma_start3A_184 : memref<8208xi32, #tpu.memory_space<hbm>>) target(%arg7 : memref<8208xi32, #tpu.memory_space<vmem>>) target_semaphore(%run_scoped3A : memref<!tpu.dma_semaphore, #tpu.memory_space<semaphore_mem>>)
        %dma_wait3A = tpu.memref_slice %arg2[%multiple_of3A] : memref<3219472xi32, #tpu.memory_space<hbm>> -> memref<8208xi32, #tpu.memory_space<hbm>>
        %dma_wait3A_185 = tpu.memref_slice %arg2[%multiple_of3A] : memref<3219472xi32, #tpu.memory_space<hbm>> -> memref<8208xi32, #tpu.memory_space<hbm>>
        tpu.wait_dma2 semaphore(%run_scoped3A : memref<!tpu.dma_semaphore, #tpu.memory_space<semaphore_mem>>) src(%dma_wait3A_185 : memref<8208xi32, #tpu.memory_space<hbm>>) dst(%arg7 : memref<8208xi32, #tpu.memory_space<vmem>>)
        tpu.yield
      }) : () -> ()
      "tpu.region"() ({
        %run_scoped3A = tpu.sem_alloc : memref<!tpu.dma_semaphore, #tpu.memory_space<semaphore_mem>>
        %dma_start3A = tpu.memref_slice %arg3[%multiple_of3A] : memref<3219472xf32, #tpu.memory_space<hbm>> -> memref<8192xf32, #tpu.memory_space<hbm>>
        %dma_start3A_184 = tpu.memref_slice %arg3[%multiple_of3A] : memref<3219472xf32, #tpu.memory_space<hbm>> -> memref<8192xf32, #tpu.memory_space<hbm>>
        tpu.enqueue_dma source(%dma_start3A_184 : memref<8192xf32, #tpu.memory_space<hbm>>) target(%arg8 : memref<8192xf32, #tpu.memory_space<vmem>>) target_semaphore(%run_scoped3A : memref<!tpu.dma_semaphore, #tpu.memory_space<semaphore_mem>>)
        %dma_wait3A = tpu.memref_slice %arg3[%multiple_of3A] : memref<3219472xf32, #tpu.memory_space<hbm>> -> memref<8192xf32, #tpu.memory_space<hbm>>
        %dma_wait3A_185 = tpu.memref_slice %arg3[%multiple_of3A] : memref<3219472xf32, #tpu.memory_space<hbm>> -> memref<8192xf32, #tpu.memory_space<hbm>>
        tpu.wait_dma2 semaphore(%run_scoped3A : memref<!tpu.dma_semaphore, #tpu.memory_space<semaphore_mem>>) src(%dma_wait3A_185 : memref<8192xf32, #tpu.memory_space<hbm>>) dst(%arg8 : memref<8192xf32, #tpu.memory_space<vmem>>)
        tpu.yield
      }) : () -> ()
      %scan3A_176 = arith.constant 0 : i32
      %scan3A_177 = arith.constant 0 : i32
      %scan3A_178 = arith.constant 512 : i32
      %scan3A_179 = arith.addi %scan3A_177, %scan3A_178 : i32
      %scan3A_180 = arith.constant 1 : i32
      scf.for %scan3A_184 = %scan3A_177 to %scan3A_179 step %scan3A_180  : i32 {
        %mul3A_185 = arith.constant 16 : i32
        %mul3A_186 = arith.muli %scan3A_184, %mul3A_185 : i32
        %get3A_187 = arith.index_cast %mul3A_186 : i32 to index
        %get3A_188 = tpu.vector_load %arg7[%get3A_187] {strides = array<i32>} : memref<8208xi32, #tpu.memory_space<vmem>>, vector<16xi32>,
        %add3A_189 = arith.constant 1 : i32
        %add3A_190 = arith.addi %mul3A_186, %add3A_189 : i32
        %get3A_191 = arith.index_cast %add3A_190 : i32 to index
        %get3A_192 = tpu.vector_load %arg7[%get3A_191] {strides = array<i32>} : memref<8208xi32, #tpu.memory_space<vmem>>, vector<16xi32>,
        %get3A_193 = arith.index_cast %mul3A_186 : i32 to index
        %get3A_194 = tpu.vector_load %arg8[%get3A_193] {strides = array<i32>} : memref<8192xf32, #tpu.memory_space<vmem>>, vector<16xf32>,
        %sub3A = vector.broadcast %mul3A_45 : i32 to vector<16xi32>
        %sub3A_195 = arith.subi %get3A_188, %sub3A : vector<16xi32>
        %bitcast3A = vector.bitcast %sub3A_195 : vector<16xi32> to vector<16xi32>
        %lt3A = arith.constant 100352 : i32
        %lt3A_196 = vector.broadcast %lt3A : i32 to vector<16xi32>
        %lt3A_197 = arith.cmpi ult, %bitcast3A, %lt3A_196 : vector<16xi32>
        %ne3A = arith.cmpi ne, %get3A_188, %get3A_192 : vector<16xi32>
        %and3A_198 = arith.andi %ne3A, %lt3A_197 : vector<16xi1>
        tpu.vector_store_idx %arg6[%sub3A_195], %get3A_194 masked %and3A_198 : memref<100352xf32, #tpu.memory_space<vmem>>[vector<16xi32>], vector<16xf32>, vector<16xi1>
      }
      %scan3A_181 = arith.constant 512 : i32
      %add3A_182 = arith.constant 1 : i32
      %add3A_183 = arith.addi %while3A_172, %add3A_182 : i32
      scf.yield %add3A_183 : i32
    }
    "tpu.region"() ({
      %run_scoped3A = tpu.sem_alloc : memref<!tpu.dma_semaphore, #tpu.memory_space<semaphore_mem>>
      %dma_start3A = tpu.memref_slice %arg5[%mul3A_45] : memref<25690112xf32, #tpu.memory_space<hbm>> -> memref<100352xf32, #tpu.memory_space<hbm>>
      %dma_start3A_172 = tpu.memref_slice %arg5[%mul3A_45] : memref<25690112xf32, #tpu.memory_space<hbm>> -> memref<100352xf32, #tpu.memory_space<hbm>>
      tpu.enqueue_dma source(%arg6 : memref<100352xf32, #tpu.memory_space<vmem>>) target(%dma_start3A_172 : memref<100352xf32, #tpu.memory_space<hbm>>) target_semaphore(%run_scoped3A : memref<!tpu.dma_semaphore, #tpu.memory_space<semaphore_mem>>)
      %dma_wait3A = tpu.memref_slice %arg5[%mul3A_45] : memref<25690112xf32, #tpu.memory_space<hbm>> -> memref<100352xf32, #tpu.memory_space<hbm>>
      %dma_wait3A_173 = tpu.memref_slice %arg5[%mul3A_45] : memref<25690112xf32, #tpu.memory_space<hbm>> -> memref<100352xf32, #tpu.memory_space<hbm>>
      tpu.wait_dma2 semaphore(%run_scoped3A : memref<!tpu.dma_semaphore, #tpu.memory_space<semaphore_mem>>) src(%arg6 : memref<100352xf32, #tpu.memory_space<vmem>>) dst(%dma_wait3A_173 : memref<100352xf32, #tpu.memory_space<hbm>>)
      tpu.yield
    }) : () -> ()
    %mul3A_62 = arith.constant 8 : i32
    %mul3A_63 = arith.muli %add3A, %mul3A_62 : i32
    %add3A_64 = arith.constant 3 : i32
    %add3A_65 = arith.addi %mul3A_63, %add3A_64 : i32
    %mul3A_66 = arith.constant 100352 : i32
    %mul3A_67 = arith.muli %add3A_65, %mul3A_66 : i32
    %get3A_68 = arith.index_cast %add3A_65 : i32 to index
    %get3A_69 = tpu.vector_load %arg9[%get3A_68] {strides = array<i32>} : memref<280xi32, #tpu.memory_space<vmem>>, vector<16xi32>,
    %slice3A_70 = vector.extract_strided_slice %get3A_69 {offsets = [0], sizes = [1], strides = [1]} : vector<16xi32> to vector<1xi32>
    %squeeze3A_71 = vector.extract %slice3A_70[0] : i32 from vector<1xi32>
    %slice3A_72 = vector.extract_strided_slice %get3A_69 {offsets = [1], sizes = [1], strides = [1]} : vector<16xi32> to vector<1xi32>
    %squeeze3A_73 = vector.extract %slice3A_72[0] : i32 from vector<1xi32>
    %and3A_74 = arith.constant -8 : i32
    %and3A_75 = arith.andi %squeeze3A_71, %and3A_74 : i32
    %scan3A_76 = arith.constant 0 : i32
    %scan3A_77 = arith.constant 0 : i32
    %scan3A_78 = arith.constant 6272 : i32
    %scan3A_79 = arith.addi %scan3A_77, %scan3A_78 : i32
    %scan3A_80 = arith.constant 1 : i32
    scf.for %scan3A_172 = %scan3A_77 to %scan3A_79 step %scan3A_80  : i32 {
      %mul3A_173 = arith.constant 16 : i32
      %mul3A_174 = arith.muli %scan3A_172, %mul3A_173 : i32
      %swap3A = arith.index_cast %mul3A_174 : i32 to index
      %swap3A_175 = tpu.vector_load %arg6[%swap3A] {strides = array<i32>} : memref<100352xf32, #tpu.memory_space<vmem>>, vector<16xf32>,
      tpu.vector_store %arg6[%swap3A], %broadcast_in_dim3A_1 {strides = array<i32>} : memref<100352xf32, #tpu.memory_space<vmem>>, vector<16xf32>,
    }
    %scan3A_81 = arith.constant 6272 : i32
    %while3A_82 = arith.constant 0 : i32
    %while3A_83 = scf.while (%while3A_172 = %while3A_82) : (i32) -> i32 {
      %mul3A_173 = arith.constant 8192 : i32
      %mul3A_174 = arith.muli %while3A_172, %mul3A_173 : i32
      %add3A_175 = arith.addi %and3A_75, %mul3A_174 : i32
      %lt3A = arith.cmpi slt, %add3A_175, %squeeze3A_73 : i32
      scf.condition(%lt3A) %while3A_172 : i32
    } do {
    ^bb0(%while3A_172: i32):
      %mul3A_173 = arith.constant 8192 : i32
      %mul3A_174 = arith.muli %while3A_172, %mul3A_173 : i32
      %add3A_175 = arith.addi %and3A_75, %mul3A_174 : i32
      %multiple_of3A = tpu.assume_multiple %add3A_175, 8 : i32
      "tpu.region"() ({
        %run_scoped3A = tpu.sem_alloc : memref<!tpu.dma_semaphore, #tpu.memory_space<semaphore_mem>>
        %dma_start3A = tpu.memref_slice %arg2[%multiple_of3A] : memref<3219472xi32, #tpu.memory_space<hbm>> -> memref<8208xi32, #tpu.memory_space<hbm>>
        %dma_start3A_184 = tpu.memref_slice %arg2[%multiple_of3A] : memref<3219472xi32, #tpu.memory_space<hbm>> -> memref<8208xi32, #tpu.memory_space<hbm>>
        tpu.enqueue_dma source(%dma_start3A_184 : memref<8208xi32, #tpu.memory_space<hbm>>) target(%arg7 : memref<8208xi32, #tpu.memory_space<vmem>>) target_semaphore(%run_scoped3A : memref<!tpu.dma_semaphore, #tpu.memory_space<semaphore_mem>>)
        %dma_wait3A = tpu.memref_slice %arg2[%multiple_of3A] : memref<3219472xi32, #tpu.memory_space<hbm>> -> memref<8208xi32, #tpu.memory_space<hbm>>
        %dma_wait3A_185 = tpu.memref_slice %arg2[%multiple_of3A] : memref<3219472xi32, #tpu.memory_space<hbm>> -> memref<8208xi32, #tpu.memory_space<hbm>>
        tpu.wait_dma2 semaphore(%run_scoped3A : memref<!tpu.dma_semaphore, #tpu.memory_space<semaphore_mem>>) src(%dma_wait3A_185 : memref<8208xi32, #tpu.memory_space<hbm>>) dst(%arg7 : memref<8208xi32, #tpu.memory_space<vmem>>)
        tpu.yield
      }) : () -> ()
      "tpu.region"() ({
        %run_scoped3A = tpu.sem_alloc : memref<!tpu.dma_semaphore, #tpu.memory_space<semaphore_mem>>
        %dma_start3A = tpu.memref_slice %arg3[%multiple_of3A] : memref<3219472xf32, #tpu.memory_space<hbm>> -> memref<8192xf32, #tpu.memory_space<hbm>>
        %dma_start3A_184 = tpu.memref_slice %arg3[%multiple_of3A] : memref<3219472xf32, #tpu.memory_space<hbm>> -> memref<8192xf32, #tpu.memory_space<hbm>>
        tpu.enqueue_dma source(%dma_start3A_184 : memref<8192xf32, #tpu.memory_space<hbm>>) target(%arg8 : memref<8192xf32, #tpu.memory_space<vmem>>) target_semaphore(%run_scoped3A : memref<!tpu.dma_semaphore, #tpu.memory_space<semaphore_mem>>)
        %dma_wait3A = tpu.memref_slice %arg3[%multiple_of3A] : memref<3219472xf32, #tpu.memory_space<hbm>> -> memref<8192xf32, #tpu.memory_space<hbm>>
        %dma_wait3A_185 = tpu.memref_slice %arg3[%multiple_of3A] : memref<3219472xf32, #tpu.memory_space<hbm>> -> memref<8192xf32, #tpu.memory_space<hbm>>
        tpu.wait_dma2 semaphore(%run_scoped3A : memref<!tpu.dma_semaphore, #tpu.memory_space<semaphore_mem>>) src(%dma_wait3A_185 : memref<8192xf32, #tpu.memory_space<hbm>>) dst(%arg8 : memref<8192xf32, #tpu.memory_space<vmem>>)
        tpu.yield
      }) : () -> ()
      %scan3A_176 = arith.constant 0 : i32
      %scan3A_177 = arith.constant 0 : i32
      %scan3A_178 = arith.constant 512 : i32
      %scan3A_179 = arith.addi %scan3A_177, %scan3A_178 : i32
      %scan3A_180 = arith.constant 1 : i32
      scf.for %scan3A_184 = %scan3A_177 to %scan3A_179 step %scan3A_180  : i32 {
        %mul3A_185 = arith.constant 16 : i32
        %mul3A_186 = arith.muli %scan3A_184, %mul3A_185 : i32
        %get3A_187 = arith.index_cast %mul3A_186 : i32 to index
        %get3A_188 = tpu.vector_load %arg7[%get3A_187] {strides = array<i32>} : memref<8208xi32, #tpu.memory_space<vmem>>, vector<16xi32>,
        %add3A_189 = arith.constant 1 : i32
        %add3A_190 = arith.addi %mul3A_186, %add3A_189 : i32
        %get3A_191 = arith.index_cast %add3A_190 : i32 to index
        %get3A_192 = tpu.vector_load %arg7[%get3A_191] {strides = array<i32>} : memref<8208xi32, #tpu.memory_space<vmem>>, vector<16xi32>,
        %get3A_193 = arith.index_cast %mul3A_186 : i32 to index
        %get3A_194 = tpu.vector_load %arg8[%get3A_193] {strides = array<i32>} : memref<8192xf32, #tpu.memory_space<vmem>>, vector<16xf32>,
        %sub3A = vector.broadcast %mul3A_67 : i32 to vector<16xi32>
        %sub3A_195 = arith.subi %get3A_188, %sub3A : vector<16xi32>
        %bitcast3A = vector.bitcast %sub3A_195 : vector<16xi32> to vector<16xi32>
        %lt3A = arith.constant 100352 : i32
        %lt3A_196 = vector.broadcast %lt3A : i32 to vector<16xi32>
        %lt3A_197 = arith.cmpi ult, %bitcast3A, %lt3A_196 : vector<16xi32>
        %ne3A = arith.cmpi ne, %get3A_188, %get3A_192 : vector<16xi32>
        %and3A_198 = arith.andi %ne3A, %lt3A_197 : vector<16xi1>
        tpu.vector_store_idx %arg6[%sub3A_195], %get3A_194 masked %and3A_198 : memref<100352xf32, #tpu.memory_space<vmem>>[vector<16xi32>], vector<16xf32>, vector<16xi1>
      }
      %scan3A_181 = arith.constant 512 : i32
      %add3A_182 = arith.constant 1 : i32
      %add3A_183 = arith.addi %while3A_172, %add3A_182 : i32
      scf.yield %add3A_183 : i32
    }
    "tpu.region"() ({
      %run_scoped3A = tpu.sem_alloc : memref<!tpu.dma_semaphore, #tpu.memory_space<semaphore_mem>>
      %dma_start3A = tpu.memref_slice %arg5[%mul3A_67] : memref<25690112xf32, #tpu.memory_space<hbm>> -> memref<100352xf32, #tpu.memory_space<hbm>>
      %dma_start3A_172 = tpu.memref_slice %arg5[%mul3A_67] : memref<25690112xf32, #tpu.memory_space<hbm>> -> memref<100352xf32, #tpu.memory_space<hbm>>
      tpu.enqueue_dma source(%arg6 : memref<100352xf32, #tpu.memory_space<vmem>>) target(%dma_start3A_172 : memref<100352xf32, #tpu.memory_space<hbm>>) target_semaphore(%run_scoped3A : memref<!tpu.dma_semaphore, #tpu.memory_space<semaphore_mem>>)
      %dma_wait3A = tpu.memref_slice %arg5[%mul3A_67] : memref<25690112xf32, #tpu.memory_space<hbm>> -> memref<100352xf32, #tpu.memory_space<hbm>>
      %dma_wait3A_173 = tpu.memref_slice %arg5[%mul3A_67] : memref<25690112xf32, #tpu.memory_space<hbm>> -> memref<100352xf32, #tpu.memory_space<hbm>>
      tpu.wait_dma2 semaphore(%run_scoped3A : memref<!tpu.dma_semaphore, #tpu.memory_space<semaphore_mem>>) src(%arg6 : memref<100352xf32, #tpu.memory_space<vmem>>) dst(%dma_wait3A_173 : memref<100352xf32, #tpu.memory_space<hbm>>)
      tpu.yield
    }) : () -> ()
    %mul3A_84 = arith.constant 8 : i32
    %mul3A_85 = arith.muli %add3A, %mul3A_84 : i32
    %add3A_86 = arith.constant 4 : i32
    %add3A_87 = arith.addi %mul3A_85, %add3A_86 : i32
    %mul3A_88 = arith.constant 100352 : i32
    %mul3A_89 = arith.muli %add3A_87, %mul3A_88 : i32
    %get3A_90 = arith.index_cast %add3A_87 : i32 to index
    %get3A_91 = tpu.vector_load %arg9[%get3A_90] {strides = array<i32>} : memref<280xi32, #tpu.memory_space<vmem>>, vector<16xi32>,
    %slice3A_92 = vector.extract_strided_slice %get3A_91 {offsets = [0], sizes = [1], strides = [1]} : vector<16xi32> to vector<1xi32>
    %squeeze3A_93 = vector.extract %slice3A_92[0] : i32 from vector<1xi32>
    %slice3A_94 = vector.extract_strided_slice %get3A_91 {offsets = [1], sizes = [1], strides = [1]} : vector<16xi32> to vector<1xi32>
    %squeeze3A_95 = vector.extract %slice3A_94[0] : i32 from vector<1xi32>
    %and3A_96 = arith.constant -8 : i32
    %and3A_97 = arith.andi %squeeze3A_93, %and3A_96 : i32
    %scan3A_98 = arith.constant 0 : i32
    %scan3A_99 = arith.constant 0 : i32
    %scan3A_100 = arith.constant 6272 : i32
    %scan3A_101 = arith.addi %scan3A_99, %scan3A_100 : i32
    %scan3A_102 = arith.constant 1 : i32
    scf.for %scan3A_172 = %scan3A_99 to %scan3A_101 step %scan3A_102  : i32 {
      %mul3A_173 = arith.constant 16 : i32
      %mul3A_174 = arith.muli %scan3A_172, %mul3A_173 : i32
      %swap3A = arith.index_cast %mul3A_174 : i32 to index
      %swap3A_175 = tpu.vector_load %arg6[%swap3A] {strides = array<i32>} : memref<100352xf32, #tpu.memory_space<vmem>>, vector<16xf32>,
      tpu.vector_store %arg6[%swap3A], %broadcast_in_dim3A_1 {strides = array<i32>} : memref<100352xf32, #tpu.memory_space<vmem>>, vector<16xf32>,
    }
    %scan3A_103 = arith.constant 6272 : i32
    %while3A_104 = arith.constant 0 : i32
    %while3A_105 = scf.while (%while3A_172 = %while3A_104) : (i32) -> i32 {
      %mul3A_173 = arith.constant 8192 : i32
      %mul3A_174 = arith.muli %while3A_172, %mul3A_173 : i32
      %add3A_175 = arith.addi %and3A_97, %mul3A_174 : i32
      %lt3A = arith.cmpi slt, %add3A_175, %squeeze3A_95 : i32
      scf.condition(%lt3A) %while3A_172 : i32
    } do {
    ^bb0(%while3A_172: i32):
      %mul3A_173 = arith.constant 8192 : i32
      %mul3A_174 = arith.muli %while3A_172, %mul3A_173 : i32
      %add3A_175 = arith.addi %and3A_97, %mul3A_174 : i32
      %multiple_of3A = tpu.assume_multiple %add3A_175, 8 : i32
      "tpu.region"() ({
        %run_scoped3A = tpu.sem_alloc : memref<!tpu.dma_semaphore, #tpu.memory_space<semaphore_mem>>
        %dma_start3A = tpu.memref_slice %arg2[%multiple_of3A] : memref<3219472xi32, #tpu.memory_space<hbm>> -> memref<8208xi32, #tpu.memory_space<hbm>>
        %dma_start3A_184 = tpu.memref_slice %arg2[%multiple_of3A] : memref<3219472xi32, #tpu.memory_space<hbm>> -> memref<8208xi32, #tpu.memory_space<hbm>>
        tpu.enqueue_dma source(%dma_start3A_184 : memref<8208xi32, #tpu.memory_space<hbm>>) target(%arg7 : memref<8208xi32, #tpu.memory_space<vmem>>) target_semaphore(%run_scoped3A : memref<!tpu.dma_semaphore, #tpu.memory_space<semaphore_mem>>)
        %dma_wait3A = tpu.memref_slice %arg2[%multiple_of3A] : memref<3219472xi32, #tpu.memory_space<hbm>> -> memref<8208xi32, #tpu.memory_space<hbm>>
        %dma_wait3A_185 = tpu.memref_slice %arg2[%multiple_of3A] : memref<3219472xi32, #tpu.memory_space<hbm>> -> memref<8208xi32, #tpu.memory_space<hbm>>
        tpu.wait_dma2 semaphore(%run_scoped3A : memref<!tpu.dma_semaphore, #tpu.memory_space<semaphore_mem>>) src(%dma_wait3A_185 : memref<8208xi32, #tpu.memory_space<hbm>>) dst(%arg7 : memref<8208xi32, #tpu.memory_space<vmem>>)
        tpu.yield
      }) : () -> ()
      "tpu.region"() ({
        %run_scoped3A = tpu.sem_alloc : memref<!tpu.dma_semaphore, #tpu.memory_space<semaphore_mem>>
        %dma_start3A = tpu.memref_slice %arg3[%multiple_of3A] : memref<3219472xf32, #tpu.memory_space<hbm>> -> memref<8192xf32, #tpu.memory_space<hbm>>
        %dma_start3A_184 = tpu.memref_slice %arg3[%multiple_of3A] : memref<3219472xf32, #tpu.memory_space<hbm>> -> memref<8192xf32, #tpu.memory_space<hbm>>
        tpu.enqueue_dma source(%dma_start3A_184 : memref<8192xf32, #tpu.memory_space<hbm>>) target(%arg8 : memref<8192xf32, #tpu.memory_space<vmem>>) target_semaphore(%run_scoped3A : memref<!tpu.dma_semaphore, #tpu.memory_space<semaphore_mem>>)
        %dma_wait3A = tpu.memref_slice %arg3[%multiple_of3A] : memref<3219472xf32, #tpu.memory_space<hbm>> -> memref<8192xf32, #tpu.memory_space<hbm>>
        %dma_wait3A_185 = tpu.memref_slice %arg3[%multiple_of3A] : memref<3219472xf32, #tpu.memory_space<hbm>> -> memref<8192xf32, #tpu.memory_space<hbm>>
        tpu.wait_dma2 semaphore(%run_scoped3A : memref<!tpu.dma_semaphore, #tpu.memory_space<semaphore_mem>>) src(%dma_wait3A_185 : memref<8192xf32, #tpu.memory_space<hbm>>) dst(%arg8 : memref<8192xf32, #tpu.memory_space<vmem>>)
        tpu.yield
      }) : () -> ()
      %scan3A_176 = arith.constant 0 : i32
      %scan3A_177 = arith.constant 0 : i32
      %scan3A_178 = arith.constant 512 : i32
      %scan3A_179 = arith.addi %scan3A_177, %scan3A_178 : i32
      %scan3A_180 = arith.constant 1 : i32
      scf.for %scan3A_184 = %scan3A_177 to %scan3A_179 step %scan3A_180  : i32 {
        %mul3A_185 = arith.constant 16 : i32
        %mul3A_186 = arith.muli %scan3A_184, %mul3A_185 : i32
        %get3A_187 = arith.index_cast %mul3A_186 : i32 to index
        %get3A_188 = tpu.vector_load %arg7[%get3A_187] {strides = array<i32>} : memref<8208xi32, #tpu.memory_space<vmem>>, vector<16xi32>,
        %add3A_189 = arith.constant 1 : i32
        %add3A_190 = arith.addi %mul3A_186, %add3A_189 : i32
        %get3A_191 = arith.index_cast %add3A_190 : i32 to index
        %get3A_192 = tpu.vector_load %arg7[%get3A_191] {strides = array<i32>} : memref<8208xi32, #tpu.memory_space<vmem>>, vector<16xi32>,
        %get3A_193 = arith.index_cast %mul3A_186 : i32 to index
        %get3A_194 = tpu.vector_load %arg8[%get3A_193] {strides = array<i32>} : memref<8192xf32, #tpu.memory_space<vmem>>, vector<16xf32>,
        %sub3A = vector.broadcast %mul3A_89 : i32 to vector<16xi32>
        %sub3A_195 = arith.subi %get3A_188, %sub3A : vector<16xi32>
        %bitcast3A = vector.bitcast %sub3A_195 : vector<16xi32> to vector<16xi32>
        %lt3A = arith.constant 100352 : i32
        %lt3A_196 = vector.broadcast %lt3A : i32 to vector<16xi32>
        %lt3A_197 = arith.cmpi ult, %bitcast3A, %lt3A_196 : vector<16xi32>
        %ne3A = arith.cmpi ne, %get3A_188, %get3A_192 : vector<16xi32>
        %and3A_198 = arith.andi %ne3A, %lt3A_197 : vector<16xi1>
        tpu.vector_store_idx %arg6[%sub3A_195], %get3A_194 masked %and3A_198 : memref<100352xf32, #tpu.memory_space<vmem>>[vector<16xi32>], vector<16xf32>, vector<16xi1>
      }
      %scan3A_181 = arith.constant 512 : i32
      %add3A_182 = arith.constant 1 : i32
      %add3A_183 = arith.addi %while3A_172, %add3A_182 : i32
      scf.yield %add3A_183 : i32
    }
    "tpu.region"() ({
      %run_scoped3A = tpu.sem_alloc : memref<!tpu.dma_semaphore, #tpu.memory_space<semaphore_mem>>
      %dma_start3A = tpu.memref_slice %arg5[%mul3A_89] : memref<25690112xf32, #tpu.memory_space<hbm>> -> memref<100352xf32, #tpu.memory_space<hbm>>
      %dma_start3A_172 = tpu.memref_slice %arg5[%mul3A_89] : memref<25690112xf32, #tpu.memory_space<hbm>> -> memref<100352xf32, #tpu.memory_space<hbm>>
      tpu.enqueue_dma source(%arg6 : memref<100352xf32, #tpu.memory_space<vmem>>) target(%dma_start3A_172 : memref<100352xf32, #tpu.memory_space<hbm>>) target_semaphore(%run_scoped3A : memref<!tpu.dma_semaphore, #tpu.memory_space<semaphore_mem>>)
      %dma_wait3A = tpu.memref_slice %arg5[%mul3A_89] : memref<25690112xf32, #tpu.memory_space<hbm>> -> memref<100352xf32, #tpu.memory_space<hbm>>
      %dma_wait3A_173 = tpu.memref_slice %arg5[%mul3A_89] : memref<25690112xf32, #tpu.memory_space<hbm>> -> memref<100352xf32, #tpu.memory_space<hbm>>
      tpu.wait_dma2 semaphore(%run_scoped3A : memref<!tpu.dma_semaphore, #tpu.memory_space<semaphore_mem>>) src(%arg6 : memref<100352xf32, #tpu.memory_space<vmem>>) dst(%dma_wait3A_173 : memref<100352xf32, #tpu.memory_space<hbm>>)
      tpu.yield
    }) : () -> ()
    %mul3A_106 = arith.constant 8 : i32
    %mul3A_107 = arith.muli %add3A, %mul3A_106 : i32
    %add3A_108 = arith.constant 5 : i32
    %add3A_109 = arith.addi %mul3A_107, %add3A_108 : i32
    %mul3A_110 = arith.constant 100352 : i32
    %mul3A_111 = arith.muli %add3A_109, %mul3A_110 : i32
    %get3A_112 = arith.index_cast %add3A_109 : i32 to index
    %get3A_113 = tpu.vector_load %arg9[%get3A_112] {strides = array<i32>} : memref<280xi32, #tpu.memory_space<vmem>>, vector<16xi32>,
    %slice3A_114 = vector.extract_strided_slice %get3A_113 {offsets = [0], sizes = [1], strides = [1]} : vector<16xi32> to vector<1xi32>
    %squeeze3A_115 = vector.extract %slice3A_114[0] : i32 from vector<1xi32>
    %slice3A_116 = vector.extract_strided_slice %get3A_113 {offsets = [1], sizes = [1], strides = [1]} : vector<16xi32> to vector<1xi32>
    %squeeze3A_117 = vector.extract %slice3A_116[0] : i32 from vector<1xi32>
    %and3A_118 = arith.constant -8 : i32
    %and3A_119 = arith.andi %squeeze3A_115, %and3A_118 : i32
    %scan3A_120 = arith.constant 0 : i32
    %scan3A_121 = arith.constant 0 : i32
    %scan3A_122 = arith.constant 6272 : i32
    %scan3A_123 = arith.addi %scan3A_121, %scan3A_122 : i32
    %scan3A_124 = arith.constant 1 : i32
    scf.for %scan3A_172 = %scan3A_121 to %scan3A_123 step %scan3A_124  : i32 {
      %mul3A_173 = arith.constant 16 : i32
      %mul3A_174 = arith.muli %scan3A_172, %mul3A_173 : i32
      %swap3A = arith.index_cast %mul3A_174 : i32 to index
      %swap3A_175 = tpu.vector_load %arg6[%swap3A] {strides = array<i32>} : memref<100352xf32, #tpu.memory_space<vmem>>, vector<16xf32>,
      tpu.vector_store %arg6[%swap3A], %broadcast_in_dim3A_1 {strides = array<i32>} : memref<100352xf32, #tpu.memory_space<vmem>>, vector<16xf32>,
    }
    %scan3A_125 = arith.constant 6272 : i32
    %while3A_126 = arith.constant 0 : i32
    %while3A_127 = scf.while (%while3A_172 = %while3A_126) : (i32) -> i32 {
      %mul3A_173 = arith.constant 8192 : i32
      %mul3A_174 = arith.muli %while3A_172, %mul3A_173 : i32
      %add3A_175 = arith.addi %and3A_119, %mul3A_174 : i32
      %lt3A = arith.cmpi slt, %add3A_175, %squeeze3A_117 : i32
      scf.condition(%lt3A) %while3A_172 : i32
    } do {
    ^bb0(%while3A_172: i32):
      %mul3A_173 = arith.constant 8192 : i32
      %mul3A_174 = arith.muli %while3A_172, %mul3A_173 : i32
      %add3A_175 = arith.addi %and3A_119, %mul3A_174 : i32
      %multiple_of3A = tpu.assume_multiple %add3A_175, 8 : i32
      "tpu.region"() ({
        %run_scoped3A = tpu.sem_alloc : memref<!tpu.dma_semaphore, #tpu.memory_space<semaphore_mem>>
        %dma_start3A = tpu.memref_slice %arg2[%multiple_of3A] : memref<3219472xi32, #tpu.memory_space<hbm>> -> memref<8208xi32, #tpu.memory_space<hbm>>
        %dma_start3A_184 = tpu.memref_slice %arg2[%multiple_of3A] : memref<3219472xi32, #tpu.memory_space<hbm>> -> memref<8208xi32, #tpu.memory_space<hbm>>
        tpu.enqueue_dma source(%dma_start3A_184 : memref<8208xi32, #tpu.memory_space<hbm>>) target(%arg7 : memref<8208xi32, #tpu.memory_space<vmem>>) target_semaphore(%run_scoped3A : memref<!tpu.dma_semaphore, #tpu.memory_space<semaphore_mem>>)
        %dma_wait3A = tpu.memref_slice %arg2[%multiple_of3A] : memref<3219472xi32, #tpu.memory_space<hbm>> -> memref<8208xi32, #tpu.memory_space<hbm>>
        %dma_wait3A_185 = tpu.memref_slice %arg2[%multiple_of3A] : memref<3219472xi32, #tpu.memory_space<hbm>> -> memref<8208xi32, #tpu.memory_space<hbm>>
        tpu.wait_dma2 semaphore(%run_scoped3A : memref<!tpu.dma_semaphore, #tpu.memory_space<semaphore_mem>>) src(%dma_wait3A_185 : memref<8208xi32, #tpu.memory_space<hbm>>) dst(%arg7 : memref<8208xi32, #tpu.memory_space<vmem>>)
        tpu.yield
      }) : () -> ()
      "tpu.region"() ({
        %run_scoped3A = tpu.sem_alloc : memref<!tpu.dma_semaphore, #tpu.memory_space<semaphore_mem>>
        %dma_start3A = tpu.memref_slice %arg3[%multiple_of3A] : memref<3219472xf32, #tpu.memory_space<hbm>> -> memref<8192xf32, #tpu.memory_space<hbm>>
        %dma_start3A_184 = tpu.memref_slice %arg3[%multiple_of3A] : memref<3219472xf32, #tpu.memory_space<hbm>> -> memref<8192xf32, #tpu.memory_space<hbm>>
        tpu.enqueue_dma source(%dma_start3A_184 : memref<8192xf32, #tpu.memory_space<hbm>>) target(%arg8 : memref<8192xf32, #tpu.memory_space<vmem>>) target_semaphore(%run_scoped3A : memref<!tpu.dma_semaphore, #tpu.memory_space<semaphore_mem>>)
        %dma_wait3A = tpu.memref_slice %arg3[%multiple_of3A] : memref<3219472xf32, #tpu.memory_space<hbm>> -> memref<8192xf32, #tpu.memory_space<hbm>>
        %dma_wait3A_185 = tpu.memref_slice %arg3[%multiple_of3A] : memref<3219472xf32, #tpu.memory_space<hbm>> -> memref<8192xf32, #tpu.memory_space<hbm>>
        tpu.wait_dma2 semaphore(%run_scoped3A : memref<!tpu.dma_semaphore, #tpu.memory_space<semaphore_mem>>) src(%dma_wait3A_185 : memref<8192xf32, #tpu.memory_space<hbm>>) dst(%arg8 : memref<8192xf32, #tpu.memory_space<vmem>>)
        tpu.yield
      }) : () -> ()
      %scan3A_176 = arith.constant 0 : i32
      %scan3A_177 = arith.constant 0 : i32
      %scan3A_178 = arith.constant 512 : i32
      %scan3A_179 = arith.addi %scan3A_177, %scan3A_178 : i32
      %scan3A_180 = arith.constant 1 : i32
      scf.for %scan3A_184 = %scan3A_177 to %scan3A_179 step %scan3A_180  : i32 {
        %mul3A_185 = arith.constant 16 : i32
        %mul3A_186 = arith.muli %scan3A_184, %mul3A_185 : i32
        %get3A_187 = arith.index_cast %mul3A_186 : i32 to index
        %get3A_188 = tpu.vector_load %arg7[%get3A_187] {strides = array<i32>} : memref<8208xi32, #tpu.memory_space<vmem>>, vector<16xi32>,
        %add3A_189 = arith.constant 1 : i32
        %add3A_190 = arith.addi %mul3A_186, %add3A_189 : i32
        %get3A_191 = arith.index_cast %add3A_190 : i32 to index
        %get3A_192 = tpu.vector_load %arg7[%get3A_191] {strides = array<i32>} : memref<8208xi32, #tpu.memory_space<vmem>>, vector<16xi32>,
        %get3A_193 = arith.index_cast %mul3A_186 : i32 to index
        %get3A_194 = tpu.vector_load %arg8[%get3A_193] {strides = array<i32>} : memref<8192xf32, #tpu.memory_space<vmem>>, vector<16xf32>,
        %sub3A = vector.broadcast %mul3A_111 : i32 to vector<16xi32>
        %sub3A_195 = arith.subi %get3A_188, %sub3A : vector<16xi32>
        %bitcast3A = vector.bitcast %sub3A_195 : vector<16xi32> to vector<16xi32>
        %lt3A = arith.constant 100352 : i32
        %lt3A_196 = vector.broadcast %lt3A : i32 to vector<16xi32>
        %lt3A_197 = arith.cmpi ult, %bitcast3A, %lt3A_196 : vector<16xi32>
        %ne3A = arith.cmpi ne, %get3A_188, %get3A_192 : vector<16xi32>
        %and3A_198 = arith.andi %ne3A, %lt3A_197 : vector<16xi1>
        tpu.vector_store_idx %arg6[%sub3A_195], %get3A_194 masked %and3A_198 : memref<100352xf32, #tpu.memory_space<vmem>>[vector<16xi32>], vector<16xf32>, vector<16xi1>
      }
      %scan3A_181 = arith.constant 512 : i32
      %add3A_182 = arith.constant 1 : i32
      %add3A_183 = arith.addi %while3A_172, %add3A_182 : i32
      scf.yield %add3A_183 : i32
    }
    "tpu.region"() ({
      %run_scoped3A = tpu.sem_alloc : memref<!tpu.dma_semaphore, #tpu.memory_space<semaphore_mem>>
      %dma_start3A = tpu.memref_slice %arg5[%mul3A_111] : memref<25690112xf32, #tpu.memory_space<hbm>> -> memref<100352xf32, #tpu.memory_space<hbm>>
      %dma_start3A_172 = tpu.memref_slice %arg5[%mul3A_111] : memref<25690112xf32, #tpu.memory_space<hbm>> -> memref<100352xf32, #tpu.memory_space<hbm>>
      tpu.enqueue_dma source(%arg6 : memref<100352xf32, #tpu.memory_space<vmem>>) target(%dma_start3A_172 : memref<100352xf32, #tpu.memory_space<hbm>>) target_semaphore(%run_scoped3A : memref<!tpu.dma_semaphore, #tpu.memory_space<semaphore_mem>>)
      %dma_wait3A = tpu.memref_slice %arg5[%mul3A_111] : memref<25690112xf32, #tpu.memory_space<hbm>> -> memref<100352xf32, #tpu.memory_space<hbm>>
      %dma_wait3A_173 = tpu.memref_slice %arg5[%mul3A_111] : memref<25690112xf32, #tpu.memory_space<hbm>> -> memref<100352xf32, #tpu.memory_space<hbm>>
      tpu.wait_dma2 semaphore(%run_scoped3A : memref<!tpu.dma_semaphore, #tpu.memory_space<semaphore_mem>>) src(%arg6 : memref<100352xf32, #tpu.memory_space<vmem>>) dst(%dma_wait3A_173 : memref<100352xf32, #tpu.memory_space<hbm>>)
      tpu.yield
    }) : () -> ()
    %mul3A_128 = arith.constant 8 : i32
    %mul3A_129 = arith.muli %add3A, %mul3A_128 : i32
    %add3A_130 = arith.constant 6 : i32
    %add3A_131 = arith.addi %mul3A_129, %add3A_130 : i32
    %mul3A_132 = arith.constant 100352 : i32
    %mul3A_133 = arith.muli %add3A_131, %mul3A_132 : i32
    %get3A_134 = arith.index_cast %add3A_131 : i32 to index
    %get3A_135 = tpu.vector_load %arg9[%get3A_134] {strides = array<i32>} : memref<280xi32, #tpu.memory_space<vmem>>, vector<16xi32>,
    %slice3A_136 = vector.extract_strided_slice %get3A_135 {offsets = [0], sizes = [1], strides = [1]} : vector<16xi32> to vector<1xi32>
    %squeeze3A_137 = vector.extract %slice3A_136[0] : i32 from vector<1xi32>
    %slice3A_138 = vector.extract_strided_slice %get3A_135 {offsets = [1], sizes = [1], strides = [1]} : vector<16xi32> to vector<1xi32>
    %squeeze3A_139 = vector.extract %slice3A_138[0] : i32 from vector<1xi32>
    %and3A_140 = arith.constant -8 : i32
    %and3A_141 = arith.andi %squeeze3A_137, %and3A_140 : i32
    %scan3A_142 = arith.constant 0 : i32
    %scan3A_143 = arith.constant 0 : i32
    %scan3A_144 = arith.constant 6272 : i32
    %scan3A_145 = arith.addi %scan3A_143, %scan3A_144 : i32
    %scan3A_146 = arith.constant 1 : i32
    scf.for %scan3A_172 = %scan3A_143 to %scan3A_145 step %scan3A_146  : i32 {
      %mul3A_173 = arith.constant 16 : i32
      %mul3A_174 = arith.muli %scan3A_172, %mul3A_173 : i32
      %swap3A = arith.index_cast %mul3A_174 : i32 to index
      %swap3A_175 = tpu.vector_load %arg6[%swap3A] {strides = array<i32>} : memref<100352xf32, #tpu.memory_space<vmem>>, vector<16xf32>,
      tpu.vector_store %arg6[%swap3A], %broadcast_in_dim3A_1 {strides = array<i32>} : memref<100352xf32, #tpu.memory_space<vmem>>, vector<16xf32>,
    }
    %scan3A_147 = arith.constant 6272 : i32
    %while3A_148 = arith.constant 0 : i32
    %while3A_149 = scf.while (%while3A_172 = %while3A_148) : (i32) -> i32 {
      %mul3A_173 = arith.constant 8192 : i32
      %mul3A_174 = arith.muli %while3A_172, %mul3A_173 : i32
      %add3A_175 = arith.addi %and3A_141, %mul3A_174 : i32
      %lt3A = arith.cmpi slt, %add3A_175, %squeeze3A_139 : i32
      scf.condition(%lt3A) %while3A_172 : i32
    } do {
    ^bb0(%while3A_172: i32):
      %mul3A_173 = arith.constant 8192 : i32
      %mul3A_174 = arith.muli %while3A_172, %mul3A_173 : i32
      %add3A_175 = arith.addi %and3A_141, %mul3A_174 : i32
      %multiple_of3A = tpu.assume_multiple %add3A_175, 8 : i32
      "tpu.region"() ({
        %run_scoped3A = tpu.sem_alloc : memref<!tpu.dma_semaphore, #tpu.memory_space<semaphore_mem>>
        %dma_start3A = tpu.memref_slice %arg2[%multiple_of3A] : memref<3219472xi32, #tpu.memory_space<hbm>> -> memref<8208xi32, #tpu.memory_space<hbm>>
        %dma_start3A_184 = tpu.memref_slice %arg2[%multiple_of3A] : memref<3219472xi32, #tpu.memory_space<hbm>> -> memref<8208xi32, #tpu.memory_space<hbm>>
        tpu.enqueue_dma source(%dma_start3A_184 : memref<8208xi32, #tpu.memory_space<hbm>>) target(%arg7 : memref<8208xi32, #tpu.memory_space<vmem>>) target_semaphore(%run_scoped3A : memref<!tpu.dma_semaphore, #tpu.memory_space<semaphore_mem>>)
        %dma_wait3A = tpu.memref_slice %arg2[%multiple_of3A] : memref<3219472xi32, #tpu.memory_space<hbm>> -> memref<8208xi32, #tpu.memory_space<hbm>>
        %dma_wait3A_185 = tpu.memref_slice %arg2[%multiple_of3A] : memref<3219472xi32, #tpu.memory_space<hbm>> -> memref<8208xi32, #tpu.memory_space<hbm>>
        tpu.wait_dma2 semaphore(%run_scoped3A : memref<!tpu.dma_semaphore, #tpu.memory_space<semaphore_mem>>) src(%dma_wait3A_185 : memref<8208xi32, #tpu.memory_space<hbm>>) dst(%arg7 : memref<8208xi32, #tpu.memory_space<vmem>>)
        tpu.yield
      }) : () -> ()
      "tpu.region"() ({
        %run_scoped3A = tpu.sem_alloc : memref<!tpu.dma_semaphore, #tpu.memory_space<semaphore_mem>>
        %dma_start3A = tpu.memref_slice %arg3[%multiple_of3A] : memref<3219472xf32, #tpu.memory_space<hbm>> -> memref<8192xf32, #tpu.memory_space<hbm>>
        %dma_start3A_184 = tpu.memref_slice %arg3[%multiple_of3A] : memref<3219472xf32, #tpu.memory_space<hbm>> -> memref<8192xf32, #tpu.memory_space<hbm>>
        tpu.enqueue_dma source(%dma_start3A_184 : memref<8192xf32, #tpu.memory_space<hbm>>) target(%arg8 : memref<8192xf32, #tpu.memory_space<vmem>>) target_semaphore(%run_scoped3A : memref<!tpu.dma_semaphore, #tpu.memory_space<semaphore_mem>>)
        %dma_wait3A = tpu.memref_slice %arg3[%multiple_of3A] : memref<3219472xf32, #tpu.memory_space<hbm>> -> memref<8192xf32, #tpu.memory_space<hbm>>
        %dma_wait3A_185 = tpu.memref_slice %arg3[%multiple_of3A] : memref<3219472xf32, #tpu.memory_space<hbm>> -> memref<8192xf32, #tpu.memory_space<hbm>>
        tpu.wait_dma2 semaphore(%run_scoped3A : memref<!tpu.dma_semaphore, #tpu.memory_space<semaphore_mem>>) src(%dma_wait3A_185 : memref<8192xf32, #tpu.memory_space<hbm>>) dst(%arg8 : memref<8192xf32, #tpu.memory_space<vmem>>)
        tpu.yield
      }) : () -> ()
      %scan3A_176 = arith.constant 0 : i32
      %scan3A_177 = arith.constant 0 : i32
      %scan3A_178 = arith.constant 512 : i32
      %scan3A_179 = arith.addi %scan3A_177, %scan3A_178 : i32
      %scan3A_180 = arith.constant 1 : i32
      scf.for %scan3A_184 = %scan3A_177 to %scan3A_179 step %scan3A_180  : i32 {
        %mul3A_185 = arith.constant 16 : i32
        %mul3A_186 = arith.muli %scan3A_184, %mul3A_185 : i32
        %get3A_187 = arith.index_cast %mul3A_186 : i32 to index
        %get3A_188 = tpu.vector_load %arg7[%get3A_187] {strides = array<i32>} : memref<8208xi32, #tpu.memory_space<vmem>>, vector<16xi32>,
        %add3A_189 = arith.constant 1 : i32
        %add3A_190 = arith.addi %mul3A_186, %add3A_189 : i32
        %get3A_191 = arith.index_cast %add3A_190 : i32 to index
        %get3A_192 = tpu.vector_load %arg7[%get3A_191] {strides = array<i32>} : memref<8208xi32, #tpu.memory_space<vmem>>, vector<16xi32>,
        %get3A_193 = arith.index_cast %mul3A_186 : i32 to index
        %get3A_194 = tpu.vector_load %arg8[%get3A_193] {strides = array<i32>} : memref<8192xf32, #tpu.memory_space<vmem>>, vector<16xf32>,
        %sub3A = vector.broadcast %mul3A_133 : i32 to vector<16xi32>
        %sub3A_195 = arith.subi %get3A_188, %sub3A : vector<16xi32>
        %bitcast3A = vector.bitcast %sub3A_195 : vector<16xi32> to vector<16xi32>
        %lt3A = arith.constant 100352 : i32
        %lt3A_196 = vector.broadcast %lt3A : i32 to vector<16xi32>
        %lt3A_197 = arith.cmpi ult, %bitcast3A, %lt3A_196 : vector<16xi32>
        %ne3A = arith.cmpi ne, %get3A_188, %get3A_192 : vector<16xi32>
        %and3A_198 = arith.andi %ne3A, %lt3A_197 : vector<16xi1>
        tpu.vector_store_idx %arg6[%sub3A_195], %get3A_194 masked %and3A_198 : memref<100352xf32, #tpu.memory_space<vmem>>[vector<16xi32>], vector<16xf32>, vector<16xi1>
      }
      %scan3A_181 = arith.constant 512 : i32
      %add3A_182 = arith.constant 1 : i32
      %add3A_183 = arith.addi %while3A_172, %add3A_182 : i32
      scf.yield %add3A_183 : i32
    }
    "tpu.region"() ({
      %run_scoped3A = tpu.sem_alloc : memref<!tpu.dma_semaphore, #tpu.memory_space<semaphore_mem>>
      %dma_start3A = tpu.memref_slice %arg5[%mul3A_133] : memref<25690112xf32, #tpu.memory_space<hbm>> -> memref<100352xf32, #tpu.memory_space<hbm>>
      %dma_start3A_172 = tpu.memref_slice %arg5[%mul3A_133] : memref<25690112xf32, #tpu.memory_space<hbm>> -> memref<100352xf32, #tpu.memory_space<hbm>>
      tpu.enqueue_dma source(%arg6 : memref<100352xf32, #tpu.memory_space<vmem>>) target(%dma_start3A_172 : memref<100352xf32, #tpu.memory_space<hbm>>) target_semaphore(%run_scoped3A : memref<!tpu.dma_semaphore, #tpu.memory_space<semaphore_mem>>)
      %dma_wait3A = tpu.memref_slice %arg5[%mul3A_133] : memref<25690112xf32, #tpu.memory_space<hbm>> -> memref<100352xf32, #tpu.memory_space<hbm>>
      %dma_wait3A_173 = tpu.memref_slice %arg5[%mul3A_133] : memref<25690112xf32, #tpu.memory_space<hbm>> -> memref<100352xf32, #tpu.memory_space<hbm>>
      tpu.wait_dma2 semaphore(%run_scoped3A : memref<!tpu.dma_semaphore, #tpu.memory_space<semaphore_mem>>) src(%arg6 : memref<100352xf32, #tpu.memory_space<vmem>>) dst(%dma_wait3A_173 : memref<100352xf32, #tpu.memory_space<hbm>>)
      tpu.yield
    }) : () -> ()
    %mul3A_150 = arith.constant 8 : i32
    %mul3A_151 = arith.muli %add3A, %mul3A_150 : i32
    %add3A_152 = arith.constant 7 : i32
    %add3A_153 = arith.addi %mul3A_151, %add3A_152 : i32
    %mul3A_154 = arith.constant 100352 : i32
    %mul3A_155 = arith.muli %add3A_153, %mul3A_154 : i32
    %get3A_156 = arith.index_cast %add3A_153 : i32 to index
    %get3A_157 = tpu.vector_load %arg9[%get3A_156] {strides = array<i32>} : memref<280xi32, #tpu.memory_space<vmem>>, vector<16xi32>,
    %slice3A_158 = vector.extract_strided_slice %get3A_157 {offsets = [0], sizes = [1], strides = [1]} : vector<16xi32> to vector<1xi32>
    %squeeze3A_159 = vector.extract %slice3A_158[0] : i32 from vector<1xi32>
    %slice3A_160 = vector.extract_strided_slice %get3A_157 {offsets = [1], sizes = [1], strides = [1]} : vector<16xi32> to vector<1xi32>
    %squeeze3A_161 = vector.extract %slice3A_160[0] : i32 from vector<1xi32>
    %and3A_162 = arith.constant -8 : i32
    %and3A_163 = arith.andi %squeeze3A_159, %and3A_162 : i32
    %scan3A_164 = arith.constant 0 : i32
    %scan3A_165 = arith.constant 0 : i32
    %scan3A_166 = arith.constant 6272 : i32
    %scan3A_167 = arith.addi %scan3A_165, %scan3A_166 : i32
    %scan3A_168 = arith.constant 1 : i32
    scf.for %scan3A_172 = %scan3A_165 to %scan3A_167 step %scan3A_168  : i32 {
      %mul3A_173 = arith.constant 16 : i32
      %mul3A_174 = arith.muli %scan3A_172, %mul3A_173 : i32
      %swap3A = arith.index_cast %mul3A_174 : i32 to index
      %swap3A_175 = tpu.vector_load %arg6[%swap3A] {strides = array<i32>} : memref<100352xf32, #tpu.memory_space<vmem>>, vector<16xf32>,
      tpu.vector_store %arg6[%swap3A], %broadcast_in_dim3A_1 {strides = array<i32>} : memref<100352xf32, #tpu.memory_space<vmem>>, vector<16xf32>,
    }
    %scan3A_169 = arith.constant 6272 : i32
    %while3A_170 = arith.constant 0 : i32
    %while3A_171 = scf.while (%while3A_172 = %while3A_170) : (i32) -> i32 {
      %mul3A_173 = arith.constant 8192 : i32
      %mul3A_174 = arith.muli %while3A_172, %mul3A_173 : i32
      %add3A_175 = arith.addi %and3A_163, %mul3A_174 : i32
      %lt3A = arith.cmpi slt, %add3A_175, %squeeze3A_161 : i32
      scf.condition(%lt3A) %while3A_172 : i32
    } do {
    ^bb0(%while3A_172: i32):
      %mul3A_173 = arith.constant 8192 : i32
      %mul3A_174 = arith.muli %while3A_172, %mul3A_173 : i32
      %add3A_175 = arith.addi %and3A_163, %mul3A_174 : i32
      %multiple_of3A = tpu.assume_multiple %add3A_175, 8 : i32
      "tpu.region"() ({
        %run_scoped3A = tpu.sem_alloc : memref<!tpu.dma_semaphore, #tpu.memory_space<semaphore_mem>>
        %dma_start3A = tpu.memref_slice %arg2[%multiple_of3A] : memref<3219472xi32, #tpu.memory_space<hbm>> -> memref<8208xi32, #tpu.memory_space<hbm>>
        %dma_start3A_184 = tpu.memref_slice %arg2[%multiple_of3A] : memref<3219472xi32, #tpu.memory_space<hbm>> -> memref<8208xi32, #tpu.memory_space<hbm>>
        tpu.enqueue_dma source(%dma_start3A_184 : memref<8208xi32, #tpu.memory_space<hbm>>) target(%arg7 : memref<8208xi32, #tpu.memory_space<vmem>>) target_semaphore(%run_scoped3A : memref<!tpu.dma_semaphore, #tpu.memory_space<semaphore_mem>>)
        %dma_wait3A = tpu.memref_slice %arg2[%multiple_of3A] : memref<3219472xi32, #tpu.memory_space<hbm>> -> memref<8208xi32, #tpu.memory_space<hbm>>
        %dma_wait3A_185 = tpu.memref_slice %arg2[%multiple_of3A] : memref<3219472xi32, #tpu.memory_space<hbm>> -> memref<8208xi32, #tpu.memory_space<hbm>>
        tpu.wait_dma2 semaphore(%run_scoped3A : memref<!tpu.dma_semaphore, #tpu.memory_space<semaphore_mem>>) src(%dma_wait3A_185 : memref<8208xi32, #tpu.memory_space<hbm>>) dst(%arg7 : memref<8208xi32, #tpu.memory_space<vmem>>)
        tpu.yield
      }) : () -> ()
      "tpu.region"() ({
        %run_scoped3A = tpu.sem_alloc : memref<!tpu.dma_semaphore, #tpu.memory_space<semaphore_mem>>
        %dma_start3A = tpu.memref_slice %arg3[%multiple_of3A] : memref<3219472xf32, #tpu.memory_space<hbm>> -> memref<8192xf32, #tpu.memory_space<hbm>>
        %dma_start3A_184 = tpu.memref_slice %arg3[%multiple_of3A] : memref<3219472xf32, #tpu.memory_space<hbm>> -> memref<8192xf32, #tpu.memory_space<hbm>>
        tpu.enqueue_dma source(%dma_start3A_184 : memref<8192xf32, #tpu.memory_space<hbm>>) target(%arg8 : memref<8192xf32, #tpu.memory_space<vmem>>) target_semaphore(%run_scoped3A : memref<!tpu.dma_semaphore, #tpu.memory_space<semaphore_mem>>)
        %dma_wait3A = tpu.memref_slice %arg3[%multiple_of3A] : memref<3219472xf32, #tpu.memory_space<hbm>> -> memref<8192xf32, #tpu.memory_space<hbm>>
        %dma_wait3A_185 = tpu.memref_slice %arg3[%multiple_of3A] : memref<3219472xf32, #tpu.memory_space<hbm>> -> memref<8192xf32, #tpu.memory_space<hbm>>
        tpu.wait_dma2 semaphore(%run_scoped3A : memref<!tpu.dma_semaphore, #tpu.memory_space<semaphore_mem>>) src(%dma_wait3A_185 : memref<8192xf32, #tpu.memory_space<hbm>>) dst(%arg8 : memref<8192xf32, #tpu.memory_space<vmem>>)
        tpu.yield
      }) : () -> ()
      %scan3A_176 = arith.constant 0 : i32
      %scan3A_177 = arith.constant 0 : i32
      %scan3A_178 = arith.constant 512 : i32
      %scan3A_179 = arith.addi %scan3A_177, %scan3A_178 : i32
      %scan3A_180 = arith.constant 1 : i32
      scf.for %scan3A_184 = %scan3A_177 to %scan3A_179 step %scan3A_180  : i32 {
        %mul3A_185 = arith.constant 16 : i32
        %mul3A_186 = arith.muli %scan3A_184, %mul3A_185 : i32
        %get3A_187 = arith.index_cast %mul3A_186 : i32 to index
        %get3A_188 = tpu.vector_load %arg7[%get3A_187] {strides = array<i32>} : memref<8208xi32, #tpu.memory_space<vmem>>, vector<16xi32>,
        %add3A_189 = arith.constant 1 : i32
        %add3A_190 = arith.addi %mul3A_186, %add3A_189 : i32
        %get3A_191 = arith.index_cast %add3A_190 : i32 to index
        %get3A_192 = tpu.vector_load %arg7[%get3A_191] {strides = array<i32>} : memref<8208xi32, #tpu.memory_space<vmem>>, vector<16xi32>,
        %get3A_193 = arith.index_cast %mul3A_186 : i32 to index
        %get3A_194 = tpu.vector_load %arg8[%get3A_193] {strides = array<i32>} : memref<8192xf32, #tpu.memory_space<vmem>>, vector<16xf32>,
        %sub3A = vector.broadcast %mul3A_155 : i32 to vector<16xi32>
        %sub3A_195 = arith.subi %get3A_188, %sub3A : vector<16xi32>
        %bitcast3A = vector.bitcast %sub3A_195 : vector<16xi32> to vector<16xi32>
        %lt3A = arith.constant 100352 : i32
        %lt3A_196 = vector.broadcast %lt3A : i32 to vector<16xi32>
        %lt3A_197 = arith.cmpi ult, %bitcast3A, %lt3A_196 : vector<16xi32>
        %ne3A = arith.cmpi ne, %get3A_188, %get3A_192 : vector<16xi32>
        %and3A_198 = arith.andi %ne3A, %lt3A_197 : vector<16xi1>
        tpu.vector_store_idx %arg6[%sub3A_195], %get3A_194 masked %and3A_198 : memref<100352xf32, #tpu.memory_space<vmem>>[vector<16xi32>], vector<16xf32>, vector<16xi1>
      }
      %scan3A_181 = arith.constant 512 : i32
      %add3A_182 = arith.constant 1 : i32
      %add3A_183 = arith.addi %while3A_172, %add3A_182 : i32
      scf.yield %add3A_183 : i32
    }
    "tpu.region"() ({
      %run_scoped3A = tpu.sem_alloc : memref<!tpu.dma_semaphore, #tpu.memory_space<semaphore_mem>>
      %dma_start3A = tpu.memref_slice %arg5[%mul3A_155] : memref<25690112xf32, #tpu.memory_space<hbm>> -> memref<100352xf32, #tpu.memory_space<hbm>>
      %dma_start3A_172 = tpu.memref_slice %arg5[%mul3A_155] : memref<25690112xf32, #tpu.memory_space<hbm>> -> memref<100352xf32, #tpu.memory_space<hbm>>
      tpu.enqueue_dma source(%arg6 : memref<100352xf32, #tpu.memory_space<vmem>>) target(%dma_start3A_172 : memref<100352xf32, #tpu.memory_space<hbm>>) target_semaphore(%run_scoped3A : memref<!tpu.dma_semaphore, #tpu.memory_space<semaphore_mem>>)
      %dma_wait3A = tpu.memref_slice %arg5[%mul3A_155] : memref<25690112xf32, #tpu.memory_space<hbm>> -> memref<100352xf32, #tpu.memory_space<hbm>>
      %dma_wait3A_173 = tpu.memref_slice %arg5[%mul3A_155] : memref<25690112xf32, #tpu.memory_space<hbm>> -> memref<100352xf32, #tpu.memory_space<hbm>>
      tpu.wait_dma2 semaphore(%run_scoped3A : memref<!tpu.dma_semaphore, #tpu.memory_space<semaphore_mem>>) src(%arg6 : memref<100352xf32, #tpu.memory_space<vmem>>) dst(%dma_wait3A_173 : memref<100352xf32, #tpu.memory_space<hbm>>)
      tpu.yield
    }) : () -> ()
    return
  }
}

</mosaic_0001>

<sc_bundles>
// kernel: kernel.3.cloned.1.call-start
scs
__scs_entry_jumppad:
0x0: {  	(pc) =	sbr.rel $0x88, $3  }
0x1: {  	(tag) =	ssettag $0x0;
	lr =	simm.s32 $0x1  }
0x2: {  	[smem:$0x3F9F] =	sst lr;
	_ =	strace $0xD0000000  }
0x3: {  	_ = 	snop  }
0x4: {  	_ = 	snop  }
0x5: {  	_ = 	snop  }
0x6: {  	_ = 	snop  }
0x7: {  	_ = 	snop  }
__scs_overlays_trampoline_lowered:
0x8: {  	[smem:$0x3FAE] =	sst s0  }
0x9: {  	[smem:$0x3FAF] =	sst s1  }
0xa: {  	[smem:$0x3FB0] =	sst s2  }
0xb: {  	[smem:$0x3FB1] =	sst s3  }
0xc: {  	[smem:$0x3FB2] =	sst s4  }
0xd: {  	[smem:$0x3FB3] =	sst s5  }
0xe: {  	[smem:$0x3FB4] =	sst s6  }
0xf: {  	[smem:$0x3FB5] =	sst s7  }
0x10: {  	[smem:$0x3FB6] =	sst s8  }
0x11: {  	[smem:$0x3FB7] =	sst s9;
	s0 =	simm.s32 @!p0 $0x0  }
0x12: {  	s1 =	sld [smem:$0x3F9D];
	s0 =	simm.s32 @p0 $0x1  }
0x13: {  	[smem:$0x3FB8] =	sst s0;
	s0 =	simm.s32 @!p1 $0x0  }
0x14: {  	s2 =	sld [smem:$0x3F9C];
	s0 =	simm.s32 @p1 $0x1  }
0x15: {  	[smem:$0x3FB9] =	sst s0;
	s0 =	simm.s32 @!p2 $0x0  }
0x16: {  	s3 =	sld [smem:$0x3FDB];
	s0 =	simm.s32 @p2 $0x1  }
0x17: {  	s4 =	simm.s32 $0x1BF5;
	[smem:$0x3FBB] =	sst s0  }
0x18: {  	s0 =	sld [smem:$0x3F9E];
	_ =	swait.ge [sflag:s4], $0x0  }
0x19: {  	s7 =	sld [smem:$0x3F9F]  }
0x1a: {  	s8 =	sadd.s32 $0xFFFFE003, lr  }
0x1b: {  	s9 =	sadd.s32 $0xFFFFFEF7, lr;
	s5 =	simm.s32 $0xFFFFFFFF;
	p2 =	slt.u32 s8, $0xFFFFF086  }
0x1c: {  	p1 =	slt.u32 s9, $0xF7A;
	s5 =	simm.s32 @!p2 $0x0  }
0x1d: {  	s5 =	simm.s32 @p1 $0x1;
	p0 =	seq.s32 s7, s2  }
0x1e: {  	s7 =	smul.u32 @!p0 $0xF7A, s2;
	p2 =	seq.s32 @!p0 s5, $0x0  }
0x1f: {  	s9 =	smul.u32 $0xF7A, s1;
	s8 =	simm.s32 @!p0 $0x1BF5;
	p2 =	por !p2, p0  }
0x20: {  	[sflag:s8] =	ssyncset.s32 @!p0 $0xFFFFF086;
	s6 =	sadd.s32 @!p0 s3, s7;
	s7 =	simm.s32 @!p0 $0x108  }
0x21: {  	s3 =	sadd.s32 s3, s9;
	s6 =	sadd.s32 @!p0 $0x88, s6;
	s7 =	simm.s32 @p2 $0x1082  }
0x22: {  	[simem:s7], [sflag:s8] =	dma.local @!p0 [hbm:s6], $0xF7A  }
0x23: {  	s9 =	sor.u32 $0xD0000000, s2;
	s6 =	simm.s32 $0x108;
	_ =	swait.ge @!p0 [sflag:s8], $0x0  }
0x24: {  	s3 =	sadd.s32 $0x88, s3;
	s6 =	simm.s32 @!p1 $0x1082;
	[sflag:s4] =	ssyncset.s32 $0xFFFFF086  }
0x25: {  	[simem:s6], [sflag:s4] =	dma.local [hbm:s3], $0xF7A  }
0x26: {  	[smem:$0x3F9F] =	sst s1;
	(tag) =	ssettag s2;
	_ =	strace s9  }
0x27: {  	s1 =	sld [smem:$0x3FAF]  }
0x28: {  	s2 =	sld [smem:$0x3FB0]  }
0x29: {  	s4 =	sld [smem:$0x3FB2]  }
0x2a: {  	p0 =	seq.s32 s5, $0x0;
	s5 =	sld [smem:$0x3FB3]  }
0x2b: {  	s6 =	sld [smem:$0x3FB4]  }
0x2c: {  	s7 =	sld [smem:$0x3FB5]  }
0x2d: {  	s3 =	simm.s32 $0x108;
	s8 =	sld [smem:$0x3FB6]  }
0x2e: {  	s3 =	simm.s32 @!p0 $0x1082;
	s9 =	sld [smem:$0x3FB7]  }
0x2f: {  	lr =	sadd.s32 s0, s3;
	s0 =	sld [smem:$0x3FAE]  }
0x30: {  	s3 =	sld [smem:$0x3FB1]  }
0x31: {  	[smem:$0x3FBA] =	sst s10  }
0x32: {  	s10 =	sld [smem:$0x3FB8];
	_ =	sdelay $0x3  }
0x33: {  	p0 =	seq.s32 s10, $0x1;
	s10 =	sld [smem:$0x3FBA];
	_ =	sdelay $0x3  }
0x34: {  	[smem:$0x3FBA] =	sst s10  }
0x35: {  	s10 =	sld [smem:$0x3FB9];
	_ =	sdelay $0x3  }
0x36: {  	p1 =	seq.s32 s10, $0x1;
	s10 =	sld [smem:$0x3FBA];
	_ =	sdelay $0x3  }
0x37: {  	[smem:$0x3FBA] =	sst s10  }
0x38: {  	s10 =	sld [smem:$0x3FBB]  }
0x39: {  	_ = 	snop;
	(pc) =	sbr.ind lr, $3  }
0x3a: {  	_ = 	snop  }
0x3b: {  	_ = 	snop  }
0x3c: {  	p2 =	seq.s32 s10, $0x1;
	s10 =	sld [smem:$0x3FBA]  }
0x3d: {  	_ =	shalt  }
0x3e: {  	_ =	shalt  }
0x3f: {  	_ =	shalt  }
0x40: {  	_ =	shalt  }
0x41: {  	_ =	shalt  }
0x42: {  	_ =	shalt  }
0x43: {  	_ =	shalt  }
0x44: {  	_ =	shalt  }
0x45: {  	_ =	shalt  }
0x46: {  	_ =	shalt  }
0x47: {  	_ =	shalt  }
0x48: {  	_ =	shalt  }
0x49: {  	_ =	shalt  }
0x4a: {  	_ =	shalt  }
0x4b: {  	_ =	shalt  }
0x4c: {  	_ =	shalt  }
0x4d: {  	_ =	shalt  }
0x4e: {  	_ =	shalt  }
0x4f: {  	_ =	shalt  }
0x50: {  	_ =	shalt  }
0x51: {  	_ =	shalt  }
0x52: {  	_ =	shalt  }
0x53: {  	_ =	shalt  }
0x54: {  	_ =	shalt  }
0x55: {  	_ =	shalt  }
0x56: {  	_ =	shalt  }
0x57: {  	_ =	shalt  }
0x58: {  	_ =	shalt  }
0x59: {  	_ =	shalt  }
0x5a: {  	_ =	shalt  }
0x5b: {  	_ =	shalt  }
0x5c: {  	_ =	shalt  }
0x5d: {  	_ =	shalt  }
0x5e: {  	_ =	shalt  }
0x5f: {  	_ =	shalt  }
0x60: {  	_ =	shalt  }
0x61: {  	_ =	shalt  }
0x62: {  	_ =	shalt  }
0x63: {  	_ =	shalt  }
0x64: {  	_ =	shalt  }
0x65: {  	_ =	shalt  }
0x66: {  	_ =	shalt  }
0x67: {  	_ =	shalt  }
0x68: {  	_ =	shalt  }
0x69: {  	_ =	shalt  }
0x6a: {  	_ =	shalt  }
0x6b: {  	_ =	shalt  }
0x6c: {  	_ =	shalt  }
0x6d: {  	_ =	shalt  }
0x6e: {  	_ =	shalt  }
0x6f: {  	_ =	shalt  }
0x70: {  	_ =	shalt  }
0x71: {  	_ =	shalt  }
0x72: {  	_ =	shalt  }
0x73: {  	_ =	shalt  }
0x74: {  	_ =	shalt  }
0x75: {  	_ =	shalt  }
0x76: {  	_ =	shalt  }
0x77: {  	_ =	shalt  }
0x78: {  	_ =	shalt  }
0x79: {  	_ =	shalt  }
0x7a: {  	_ =	shalt  }
0x7b: {  	_ =	shalt  }
0x7c: {  	_ =	shalt  }
0x7d: {  	_ =	shalt  }
0x7e: {  	_ =	shalt  }
0x7f: {  	_ =	shalt  }
0x80: {  	_ =	shalt  }
0x81: {  	_ =	shalt  }
0x82: {  	_ =	shalt  }
0x83: {  	_ =	shalt  }
0x84: {  	_ =	shalt  }
0x85: {  	_ =	shalt  }
0x86: {  	_ =	shalt  }
0x87: {  	_ =	shalt  }
.Lfunc_end0:
.L_simem_size_0:
called_computation_lowered:
.L_overlay_start_0:
0x88: {  	s2 =	sld [smem:$0x3FD9]  }
0x89: {  	s3 =	sld [smem:$0x3FFE];
	_ =	sdelay $0x1  }
0x8a: {  	s1 =	srdreg.scid  }
0x8b: {  	s0 =	sand.u32 $0x1, s1  }
0x8c: {  	s17 =	sshll.u32 s0, $0xA;
	s2 =	sadd.s32 s3, s2  }
0x8d: {  	s2 =	sadd.s32 s2, s17  }
0x8e: {  	[smem:$0x3FC6] =	sst s2  }
0x8f: {  	_ = 	snop  }
0x90: {  	s2 =	sld [smem:$0x3FD0];
	(tm) =	ssettm $0x1  }
0x91: {  	s18 =	sld [smem:$0x3FFB];
	_ =	sdelay $0x3  }
0x92: {  	_ =	strace s18  }
0x93: {  	s3 =	sld [smem:$0x3FFC];
	_ =	sdelay $0x3  }
0x94: {  	_ =	strace s3  }
0x95: {  	s3 =	sld [smem:$0x3FFD];
	_ =	sdelay $0x3  }
0x96: {  	_ =	strace s3  }
0x97: {  	_ =	strace $0x8FFFFFFF  }
0x98: {  	s19 =	sld [smem:$0x3FDB];
	_ =	sdelay $0x1  }
0x99: {  	s4 =	simm.s32 $_scs_section_size  }
0x9a: {  	s5 =	simm.s32 $_size__tile_overlayer_lowered;
	s6 =	simm.s32 $_tile_overlayer_lowered  }
0x9b: {  	s22 =	simm.s32 $0x1BFF;
	s21 =	sshll.u32 s6, $0x1;
	s3 =	sadd.s32 s4, s19  }
0x9c: {  	s7 =	simm.s32 $0x0;
	s20 =	sshll.u32 s5, $0x1;
	s5 =	sadd.s32 s21, s3  }
0x9d: {  	[timem:s7], [sflag:s22] =	dma.local [hbm:s5], s20  }
0x9e: {  	_ =	swait.ge [sflag:s22], s20  }
0x9f: {  	s4 =	ssub.s32 $0x0, s20;
	[sflag:s22] =	ssyncset.done $0x0  }
0xa0: {  	[sflag:s22] =	ssyncadd.s32 s4;
	_ =	sdelay $0x1  }
0xa1: {  	s23 =	simm.s32 $0x1B8B  }
0xa2: {  	_ =	swait.ge [sflag:s23], $0x1  }
0xa3: {  	[sflag:s23] =	ssyncset.done $0x0  }
0xa4: {  	s25 =	simm.s32 $0x1B8E;
	s24 =	sld [smem:$0x3FFE];
	[sflag:s23] =	ssyncadd.s32 $0xFFFFFFFF  }
0xa5: {  	s26 =	simm.s32 $execute0_lowered;
	[smem:$0x3FD2] =	sst s25  }
0xa6: {  	s5 =	sshll.u32 s26, $0x1;
	_ =	strace $0x80000046;
	[dreg:$0x1] =	wrdreg $0xFFFFFFFF  }
0xa7: {  	s28 =	simm.s32 $_size_execute0_lowered;
	s3 =	sadd.s32 s3, s5;
	[dreg:$0x0] =	wrdreg $0x0  }
0xa8: {  	s5 =	sshll.u32 s28, $0x1;
	[dreg:$0x2] =	wrdreg s3  }
0xa9: {  	[dreg:$0x3] =	wrdreg s5  }
0xaa: {  	[dreg:$0x4] =	wrdreg $0xC0  }
0xab: {  	_ =	task [dreg:s7], $0x5FFFF  }
0xac: {  	[dreg:$0x1] =	wrdreg $0xFFFFFFFF  }
0xad: {  	[dreg:$0x0] =	wrdreg $0x60  }
0xae: {  	[dreg:$0x2] =	wrdreg s2  }
0xaf: {  	[dreg:$0x3] =	wrdreg s24  }
0xb0: {  	[dreg:$0x4] =	wrdreg $0x9  }
0xb1: {  	_ =	task.clear_ibuf [dreg:s7], $0x5FFFF;
	_ =	strace $0x90000046  }
0xb2: {  	s29 =	simm.s32 $0x9;
	_ =	strace $0x80000048  }
0xb3: {  	_ =	swait.ge [sflag:s29], $0x1  }
0xb4: {  	[sflag:s29] =	ssyncadd.s32 $0xFFFFFFFF  }
0xb5: {  	_ =	strace $0x90000048  }
0xb6: {  	_ =	sfence  }
0xb7: {  	s30 =	sld [smem:$0x0];
	_ =	sdelay $0x2  }
0xb8: {  	s31 =	sshll.u32 s1, $0xD;
	s1 =	sshrl.u32 s1, $0x2  }
0xb9: {  	s3 =	sand.u32 $0x4000, s31;
	s1 =	sadd.s32 s1, s30  }
0xba: {  	s0 =	sor.u32 s3, s0;
	s1 =	sshll.u32 s1, $0x11  }
0xbb: {  	s0 =	sor.u32 s1, s0  }
0xbc: {  	s0 =	sadd.s32 $0x8F2B, s0  }
0xbd: {  	[sflag:s0] =	ssyncadd.remote.s32 $0x1  }
0xbe: {  	_ =	sfence.sel $0xFFFF  }
0xbf: {  	[dreg:$0x0] =	wrdreg $0xFFFFFFFF;
	(pc) =	sbr.abs _section_cstart, $3  }
0xc0: {  	[dreg:$0x1] =	wrdreg $0xFFFFFFFF  }
0xc1: {  	_ =	task.clear_ibuf [dreg:s7], $0x2FFFF;
	_ =	strace $0x9FFFFFFF  }
0xc2: {  	(tm) =	ssettm $0x7FFFFFFF  }
0xc3: {  	_ =	shalt  }
tec
execute0_lowered:
.L_overlay_start_1:
0x0: {  	(tag) =	ssettag $0x1  }
0x1: {  	s2 =	srdreg.scid;
	s3 =	stileid.u32  }
0x2: {  	s2 =	sand.u32 $0x1, s2;
	s3 =	sshll.u32 s3, $0x1  }
0x3: {  	s0 =	rddreg [dreg:$0x1];
	s3 =	sor.u32 s2, s3  }
0x4: {  	s1 =	simm.s32 $0x0;
	s4 =	ssub.s32 $0x2, s2;
	s2 =	sshll.u32 s3, $0x3  }
0x5: {  	s5 =	sshrl.u32 s4, $0x1;
	s15 =	smul.u32 $0xC4000, s3;
	s3 =	sor.u32 $0x1, s2  }
0x6: {  	s21 =	ssub.s32 s4, s5;
	s4 =	sor.u32 $0x2, s2;
	s19 =	smul.u32 $0x18800, s3  }
0x7: {  	s16 =	rddreg [dreg:$0x0];
	s6 =	sor.u32 $0x3, s2;
	s20 =	smul.u32 $0x18800, s4  }
0x8: {  	[smem:$0x7FF] =	sst s1;
	s7 =	sor.u32 $0x4, s2;
	s22 =	smul.u32 $0x18800, s6  }
0x9: {  	s18 =	sadd.s32 $0xC5600, s0;
	s9 =	sor.u32 $0x5, s2;
	s23 =	smul.u32 $0x18800, s7  }
0xa: {  	_ =	strace $0x80000047;
	s12 =	sor.u32 $0x6, s2;
	s24 =	smul.u32 $0x18800, s9  }
0xb: {  	s31 =	sshrl.u32 s15, $0x3;
	s25 =	smul.u32 $0x18800, s12;
	s26 =	sadd.s32 $0xAB800, s15  }
0xc: {  	s21 =	smax.u32 s21, $0x1;
	s5 =	sadd.s32 s18, s31;
	s28 =	sshrl.u32 s26, $0x3  }
0xd: {  	v7 =	vmov s26;
	s26 =	simm.s32 $0x0;
	s8 =	sshrl.u32 s19, $0x3;
	s10 =	sshrl.u32 s20, $0x3  }
0xe: {  	s11 =	sshrl.u32 s22, $0x3;
	s13 =	sshrl.u32 s23, $0x3;
	s14 =	sshrl.u32 s24, $0x3  }
.Ltmp0:
0xf: {  	s17 =	sshrl.u32 s25, $0x3;
	v1 =	vmov s19;
	s19 =	sadd.s32 $0x1200, s0;
	(pc) =	sbr.rel .LBB2_1-.Ltmp0, $4  }
0x10: {  	v2 =	vmov s20;
	s20 =	sadd.s32 $0xC5400, s0;
	v3 =	vmov s22;
	v4 =	vmov s23;
	s22 =	simm.s32 $0x1C880;
	s23 =	simm.s32 $0x1  }
0x11: {  	v5 =	vmov s24;
	v6 =	vmov s25;
	s24 =	simm.s32 $0x18800;
	s25 =	simm.s32 $0x1A880;
	s8 =	sadd.s32 s18, s8  }
0x12: {  	s10 =	sadd.s32 s18, s10;
	s11 =	sadd.s32 s18, s11;
	s13 =	sadd.s32 s18, s13  }
0x13: {  	v8 =	vimm.f32 $0.0e+00;
	v0 =	vmov s15;
	s14 =	sadd.s32 s18, s14;
	s17 =	sadd.s32 s18, s17;
	s18 =	sadd.s32 s18, s28  }
.LBB2_49:
0x14: {  	s26 =	sadd.s32 $0x1, s26  }
0x15: {  	p0 =	sne.s32 s26, s21  }
.Ltmp1:
0x16: {  	_ = 	snop;
	(pc) =	sbr.rel @!p0 .LBB2_50-.Ltmp1, $4  }
0x17: {  	[hbm4b:s18+s1] =	stream.linear.scatter [tilespmem:s1], [sflag:$0x1], $0x18800, $0x38;
	[tilespmem:$0x1CA00] =	vst v63  }
0x18: {  	_ =	swait.ge [sflag:s23], $0x18800  }
0x19: {  	[sflag:s23] =	ssyncset.done $0x0  }
0x1a: {  	[sflag:s23] =	ssyncadd.s32 $0xFFFE7800  }
.LBB2_1:
0x1b: {  	[tilespmem:s22], [sflag:$0x1] =	stream.linear.gather [hbm4b:s20+s1], $0x180, $0x38;
	[tilespmem:$0x1CA00] =	vst v63  }
0x1c: {  	_ =	swait.ge [sflag:s23], $0x180  }
0x1d: {  	[sflag:s23] =	ssyncset.done $0x0  }
0x1e: {  	[sflag:s23] =	ssyncadd.s32 $0xFFFFFE80  }
0x1f: {  	s0 =	simm.s32 $0x40;
	s15 =	simm.s32 $0x0;
	v9 =	vld [tilespmem:s2+$0x1C880]  }
.LBB2_2:
0x20: {  	p0 =	seq.s32 s0, $0x61FC0;
	[tilespmem:s15+$0x0] =	vst v8;
	s15 =	smov.u32 s0;
	s0 =	sadd.s32 $0x40, s0  }
.Ltmp2:
0x21: {  	(pc) =	sbr.rel @!p0 .LBB2_2-.Ltmp2, $2  }
0x22: {  	_ =	sdelay $0x2  }
0x23: {  	s15 =	sshra.s32 s15, $0x2  }
0x24: {  	(v2sf) =	vpush v9, $0x0  }
0x25: {  	(v2sf) =	vpush v9, $0x1;
	_ =	sdelay $0xd  }
0x26: {  	s0 =	spop (v2sf)  }
0x27: {  	s28 =	spop (v2sf);
	s29 =	sand.u32 $0xFFFFFFF8, s0  }
0x28: {  	p0 =	slt.s32 s29, s28  }
.Ltmp3:
0x29: {  	_ = 	snop;
	(pc) =	sbr.rel @!p0 .LBB2_7-.Ltmp3, $2  }
0x2a: {  	_ =	sdelay $0x2  }
0x2b: {  	[tilespmem:s15+$0x0] =	vst v8;
	s30 =	simm.s32 $0x0;
	s31 =	simm.s32 $0x0;
	s0 =	smov.u32 s29  }
.LBB2_4:
0x2c: {  	s0 =	sshrl.u32 s0, $0x3  }
0x2d: {  	s15 =	sadd.s32 s16, s0  }
0x2e: {  	[tilespmem:s24], [sflag:$0x1] =	stream.linear.gather [hbm4b:s15+s30], $0x2010, $0x38;
	[tilespmem:$0x1CA00] =	vst v63  }
0x2f: {  	_ =	swait.ge [sflag:s23], $0x2010  }
0x30: {  	[sflag:s23] =	ssyncset.done $0x0  }
0x31: {  	s0 =	sadd.s32 s19, s0;
	[sflag:s23] =	ssyncadd.s32 $0xFFFFDFF0  }
0x32: {  	[tilespmem:s25], [sflag:$0x1] =	stream.linear.gather [hbm4b:s0+s30], $0x2000, $0x38;
	[tilespmem:$0x1CA00] =	vst v63  }
0x33: {  	_ =	swait.ge [sflag:s23], $0x2000  }
0x34: {  	[sflag:s23] =	ssyncset.done $0x0  }
0x35: {  	s15 =	simm.s32 $0x0;
	s0 =	simm.s32 $0x40;
	[sflag:s23] =	ssyncadd.s32 $0xFFFFE000  }
.LBB2_5:
0x36: {  	p0 =	sne.s32 s0, $0x7FC0;
	v9 =	vld [tilespmem:s15+$0x18800]  }
0x37: {  	v10 =	vld [tilespmem:s15+$0x18801];
	_ =	sdelay $0x3  }
0x38: {  	v11 =	vsub.s32 v9, v0  }
0x39: {  	vm0 =	vlt.u32 v11, $0x18800;
	vm1 =	vne.s32 v9, v10  }
0x3a: {  	v10 =	vand.u32 $0xFFFFFF80, v11;
	v9 =	vand.u32 $0x7F, v9;
	vm0 =	vmand vm1, vm0  }
0x3b: {  	v9 =	vor.u32 v9, v10;
	v11 =	vld [tilespmem:s15+$0x1A880]  }
.Ltmp4:
0x3c: {  	(pc) =	sbr.rel @p0 .LBB2_5-.Ltmp4, $2  }
0x3d: {  	_ =	sdelay $0x2  }
0x3e: {  	s15 =	sshra.s32 s0, $0x2;
	s0 =	sadd.s32 $0x40, s0;
	[tilespmem:v9+s1+$0x0] =	vst.idx.msk vm0, v11  }
0x3f: {  	v9 =	vld [tilespmem:s15+$0x18800]  }
0x40: {  	v10 =	vld [tilespmem:s15+$0x18801];
	_ =	sdelay $0x3  }
0x41: {  	s31 =	sadd.s32 $0x1, s31;
	v11 =	vsub.s32 v9, v0  }
0x42: {  	s0 =	sshll.u32 s31, $0xD;
	vm1 =	vne.s32 v9, v10;
	vm0 =	vlt.u32 v11, $0x18800  }
0x43: {  	s0 =	sadd.s32 s29, s0;
	v9 =	vand.u32 $0x7F, v9;
	v10 =	vand.u32 $0xFFFFFF80, v11;
	vm0 =	vmand vm1, vm0  }
0x44: {  	p0 =	slt.s32 s0, s28;
	v11 =	vld [tilespmem:s15+$0x1A880];
	v9 =	vor.u32 v9, v10  }
.Ltmp5:
0x45: {  	_ = 	snop;
	(pc) =	sbr.rel @p0 .LBB2_4-.Ltmp5, $2  }
0x46: {  	_ =	sdelay $0x2  }
0x47: {  	[tilespmem:v9+s1+$0x0] =	vst.idx.msk vm0, v11  }
.LBB2_7:
0x48: {  	s0 =	simm.s32 $0x0  }
0x49: {  	[hbm4b:s5+s0] =	stream.linear.scatter [tilespmem:s0], [sflag:$0x1], $0x18800, $0x38;
	[tilespmem:$0x1CA00] =	vst v63  }
0x4a: {  	_ =	swait.ge [sflag:s23], $0x18800  }
0x4b: {  	[sflag:s23] =	ssyncset.done $0x0  }
0x4c: {  	[sflag:s23] =	ssyncadd.s32 $0xFFFE7800  }
0x4d: {  	s15 =	simm.s32 $0x0;
	s0 =	simm.s32 $0x40;
	v9 =	vld [tilespmem:s3+$0x1C880]  }
.LBB2_8:
0x4e: {  	p0 =	seq.s32 s0, $0x61FC0;
	[tilespmem:s15+$0x0] =	vst v8;
	s15 =	smov.u32 s0;
	s0 =	sadd.s32 $0x40, s0  }
.Ltmp6:
0x4f: {  	(pc) =	sbr.rel @!p0 .LBB2_8-.Ltmp6, $2  }
0x50: {  	_ =	sdelay $0x2  }
0x51: {  	s15 =	sshra.s32 s15, $0x2  }
0x52: {  	(v2sf) =	vpush v9, $0x0  }
0x53: {  	(v2sf) =	vpush v9, $0x1;
	_ =	sdelay $0xd  }
0x54: {  	s0 =	spop (v2sf)  }
0x55: {  	s28 =	spop (v2sf);
	s29 =	sand.u32 $0xFFFFFFF8, s0  }
0x56: {  	p0 =	slt.s32 s29, s28  }
.Ltmp7:
0x57: {  	_ = 	snop;
	(pc) =	sbr.rel @!p0 .LBB2_13-.Ltmp7, $2  }
0x58: {  	_ =	sdelay $0x2  }
0x59: {  	[tilespmem:s15+$0x0] =	vst v8;
	s30 =	simm.s32 $0x0;
	s31 =	simm.s32 $0x0;
	s0 =	smov.u32 s29  }
.LBB2_10:
0x5a: {  	s0 =	sshrl.u32 s0, $0x3  }
0x5b: {  	s15 =	sadd.s32 s16, s0  }
0x5c: {  	[tilespmem:s24], [sflag:$0x1] =	stream.linear.gather [hbm4b:s15+s30], $0x2010, $0x38;
	[tilespmem:$0x1CA00] =	vst v63  }
0x5d: {  	_ =	swait.ge [sflag:s23], $0x2010  }
0x5e: {  	[sflag:s23] =	ssyncset.done $0x0  }
0x5f: {  	s0 =	sadd.s32 s19, s0;
	[sflag:s23] =	ssyncadd.s32 $0xFFFFDFF0  }
0x60: {  	[tilespmem:s25], [sflag:$0x1] =	stream.linear.gather [hbm4b:s0+s30], $0x2000, $0x38;
	[tilespmem:$0x1CA00] =	vst v63  }
0x61: {  	_ =	swait.ge [sflag:s23], $0x2000  }
0x62: {  	[sflag:s23] =	ssyncset.done $0x0  }
0x63: {  	s15 =	simm.s32 $0x0;
	s0 =	simm.s32 $0x40;
	[sflag:s23] =	ssyncadd.s32 $0xFFFFE000  }
.LBB2_11:
0x64: {  	p0 =	sne.s32 s0, $0x7FC0;
	v9 =	vld [tilespmem:s15+$0x18800]  }
0x65: {  	v10 =	vld [tilespmem:s15+$0x18801];
	_ =	sdelay $0x3  }
0x66: {  	v11 =	vsub.s32 v9, v1  }
0x67: {  	vm0 =	vlt.u32 v11, $0x18800;
	vm1 =	vne.s32 v9, v10  }
0x68: {  	v10 =	vand.u32 $0xFFFFFF80, v11;
	v9 =	vand.u32 $0x7F, v9;
	vm0 =	vmand vm1, vm0  }
0x69: {  	v9 =	vor.u32 v9, v10;
	v11 =	vld [tilespmem:s15+$0x1A880]  }
.Ltmp8:
0x6a: {  	(pc) =	sbr.rel @p0 .LBB2_11-.Ltmp8, $2  }
0x6b: {  	_ =	sdelay $0x2  }
0x6c: {  	s15 =	sshra.s32 s0, $0x2;
	s0 =	sadd.s32 $0x40, s0;
	[tilespmem:v9+s1+$0x0] =	vst.idx.msk vm0, v11  }
0x6d: {  	v9 =	vld [tilespmem:s15+$0x18800]  }
0x6e: {  	v10 =	vld [tilespmem:s15+$0x18801];
	_ =	sdelay $0x3  }
0x6f: {  	s31 =	sadd.s32 $0x1, s31;
	v11 =	vsub.s32 v9, v1  }
0x70: {  	s0 =	sshll.u32 s31, $0xD;
	vm1 =	vne.s32 v9, v10;
	vm0 =	vlt.u32 v11, $0x18800  }
0x71: {  	s0 =	sadd.s32 s29, s0;
	v9 =	vand.u32 $0x7F, v9;
	v10 =	vand.u32 $0xFFFFFF80, v11;
	vm0 =	vmand vm1, vm0  }
0x72: {  	p0 =	slt.s32 s0, s28;
	v11 =	vld [tilespmem:s15+$0x1A880];
	v9 =	vor.u32 v9, v10  }
.Ltmp9:
0x73: {  	_ = 	snop;
	(pc) =	sbr.rel @p0 .LBB2_10-.Ltmp9, $2  }
0x74: {  	_ =	sdelay $0x2  }
0x75: {  	[tilespmem:v9+s1+$0x0] =	vst.idx.msk vm0, v11  }
.LBB2_13:
0x76: {  	s0 =	simm.s32 $0x0  }
0x77: {  	[hbm4b:s8+s0] =	stream.linear.scatter [tilespmem:s0], [sflag:$0x1], $0x18800, $0x38;
	[tilespmem:$0x1CA00] =	vst v63  }
0x78: {  	_ =	swait.ge [sflag:s23], $0x18800  }
0x79: {  	[sflag:s23] =	ssyncset.done $0x0  }
0x7a: {  	[sflag:s23] =	ssyncadd.s32 $0xFFFE7800  }
0x7b: {  	s15 =	simm.s32 $0x0;
	s0 =	simm.s32 $0x40;
	v9 =	vld [tilespmem:s4+$0x1C880]  }
.LBB2_14:
0x7c: {  	p0 =	seq.s32 s0, $0x61FC0;
	[tilespmem:s15+$0x0] =	vst v8;
	s15 =	smov.u32 s0;
	s0 =	sadd.s32 $0x40, s0  }
.Ltmp10:
0x7d: {  	(pc) =	sbr.rel @!p0 .LBB2_14-.Ltmp10, $2  }
0x7e: {  	_ =	sdelay $0x2  }
0x7f: {  	s15 =	sshra.s32 s15, $0x2  }
0x80: {  	(v2sf) =	vpush v9, $0x0  }
0x81: {  	(v2sf) =	vpush v9, $0x1;
	_ =	sdelay $0xd  }
0x82: {  	s0 =	spop (v2sf)  }
0x83: {  	s28 =	spop (v2sf);
	s29 =	sand.u32 $0xFFFFFFF8, s0  }
0x84: {  	p0 =	slt.s32 s29, s28  }
.Ltmp11:
0x85: {  	_ = 	snop;
	(pc) =	sbr.rel @!p0 .LBB2_19-.Ltmp11, $2  }
0x86: {  	_ =	sdelay $0x2  }
0x87: {  	[tilespmem:s15+$0x0] =	vst v8;
	s30 =	simm.s32 $0x0;
	s31 =	simm.s32 $0x0;
	s0 =	smov.u32 s29  }
.LBB2_16:
0x88: {  	s0 =	sshrl.u32 s0, $0x3  }
0x89: {  	s15 =	sadd.s32 s16, s0  }
0x8a: {  	[tilespmem:s24], [sflag:$0x1] =	stream.linear.gather [hbm4b:s15+s30], $0x2010, $0x38;
	[tilespmem:$0x1CA00] =	vst v63  }
0x8b: {  	_ =	swait.ge [sflag:s23], $0x2010  }
0x8c: {  	[sflag:s23] =	ssyncset.done $0x0  }
0x8d: {  	s0 =	sadd.s32 s19, s0;
	[sflag:s23] =	ssyncadd.s32 $0xFFFFDFF0  }
0x8e: {  	[tilespmem:s25], [sflag:$0x1] =	stream.linear.gather [hbm4b:s0+s30], $0x2000, $0x38;
	[tilespmem:$0x1CA00] =	vst v63  }
0x8f: {  	_ =	swait.ge [sflag:s23], $0x2000  }
0x90: {  	[sflag:s23] =	ssyncset.done $0x0  }
0x91: {  	s15 =	simm.s32 $0x0;
	s0 =	simm.s32 $0x40;
	[sflag:s23] =	ssyncadd.s32 $0xFFFFE000  }
.LBB2_17:
0x92: {  	p0 =	sne.s32 s0, $0x7FC0;
	v9 =	vld [tilespmem:s15+$0x18800]  }
0x93: {  	v10 =	vld [tilespmem:s15+$0x18801];
	_ =	sdelay $0x3  }
0x94: {  	v11 =	vsub.s32 v9, v2  }
0x95: {  	vm0 =	vlt.u32 v11, $0x18800;
	vm1 =	vne.s32 v9, v10  }
0x96: {  	v10 =	vand.u32 $0xFFFFFF80, v11;
	v9 =	vand.u32 $0x7F, v9;
	vm0 =	vmand vm1, vm0  }
0x97: {  	v9 =	vor.u32 v9, v10;
	v11 =	vld [tilespmem:s15+$0x1A880]  }
.Ltmp12:
0x98: {  	(pc) =	sbr.rel @p0 .LBB2_17-.Ltmp12, $2  }
0x99: {  	_ =	sdelay $0x2  }
0x9a: {  	s15 =	sshra.s32 s0, $0x2;
	s0 =	sadd.s32 $0x40, s0;
	[tilespmem:v9+s1+$0x0] =	vst.idx.msk vm0, v11  }
0x9b: {  	v9 =	vld [tilespmem:s15+$0x18800]  }
0x9c: {  	v10 =	vld [tilespmem:s15+$0x18801];
	_ =	sdelay $0x3  }
0x9d: {  	s31 =	sadd.s32 $0x1, s31;
	v11 =	vsub.s32 v9, v2  }
0x9e: {  	s0 =	sshll.u32 s31, $0xD;
	vm1 =	vne.s32 v9, v10;
	vm0 =	vlt.u32 v11, $0x18800  }
0x9f: {  	s0 =	sadd.s32 s29, s0;
	v9 =	vand.u32 $0x7F, v9;
	v10 =	vand.u32 $0xFFFFFF80, v11;
	vm0 =	vmand vm1, vm0  }
0xa0: {  	p0 =	slt.s32 s0, s28;
	v11 =	vld [tilespmem:s15+$0x1A880];
	v9 =	vor.u32 v9, v10  }
.Ltmp13:
0xa1: {  	_ = 	snop;
	(pc) =	sbr.rel @p0 .LBB2_16-.Ltmp13, $2  }
0xa2: {  	_ =	sdelay $0x2  }
0xa3: {  	[tilespmem:v9+s1+$0x0] =	vst.idx.msk vm0, v11  }
.LBB2_19:
0xa4: {  	s0 =	simm.s32 $0x0  }
0xa5: {  	[hbm4b:s10+s0] =	stream.linear.scatter [tilespmem:s0], [sflag:$0x1], $0x18800, $0x38;
	[tilespmem:$0x1CA00] =	vst v63  }
0xa6: {  	_ =	swait.ge [sflag:s23], $0x18800  }
0xa7: {  	[sflag:s23] =	ssyncset.done $0x0  }
0xa8: {  	[sflag:s23] =	ssyncadd.s32 $0xFFFE7800  }
0xa9: {  	s15 =	simm.s32 $0x0;
	s0 =	simm.s32 $0x40;
	v9 =	vld [tilespmem:s6+$0x1C880]  }
.LBB2_20:
0xaa: {  	p0 =	seq.s32 s0, $0x61FC0;
	[tilespmem:s15+$0x0] =	vst v8;
	s15 =	smov.u32 s0;
	s0 =	sadd.s32 $0x40, s0  }
.Ltmp14:
0xab: {  	(pc) =	sbr.rel @!p0 .LBB2_20-.Ltmp14, $2  }
0xac: {  	_ =	sdelay $0x2  }
0xad: {  	s15 =	sshra.s32 s15, $0x2  }
0xae: {  	(v2sf) =	vpush v9, $0x0  }
0xaf: {  	(v2sf) =	vpush v9, $0x1;
	_ =	sdelay $0xd  }
0xb0: {  	s0 =	spop (v2sf)  }
0xb1: {  	s28 =	spop (v2sf);
	s29 =	sand.u32 $0xFFFFFFF8, s0  }
0xb2: {  	p0 =	slt.s32 s29, s28  }
.Ltmp15:
0xb3: {  	_ = 	snop;
	(pc) =	sbr.rel @!p0 .LBB2_25-.Ltmp15, $2  }
0xb4: {  	_ =	sdelay $0x2  }
0xb5: {  	[tilespmem:s15+$0x0] =	vst v8;
	s30 =	simm.s32 $0x0;
	s31 =	simm.s32 $0x0;
	s0 =	smov.u32 s29  }
.LBB2_22:
0xb6: {  	s0 =	sshrl.u32 s0, $0x3  }
0xb7: {  	s15 =	sadd.s32 s16, s0  }
0xb8: {  	[tilespmem:s24], [sflag:$0x1] =	stream.linear.gather [hbm4b:s15+s30], $0x2010, $0x38;
	[tilespmem:$0x1CA00] =	vst v63  }
0xb9: {  	_ =	swait.ge [sflag:s23], $0x2010  }
0xba: {  	[sflag:s23] =	ssyncset.done $0x0  }
0xbb: {  	s0 =	sadd.s32 s19, s0;
	[sflag:s23] =	ssyncadd.s32 $0xFFFFDFF0  }
0xbc: {  	[tilespmem:s25], [sflag:$0x1] =	stream.linear.gather [hbm4b:s0+s30], $0x2000, $0x38;
	[tilespmem:$0x1CA00] =	vst v63  }
0xbd: {  	_ =	swait.ge [sflag:s23], $0x2000  }
0xbe: {  	[sflag:s23] =	ssyncset.done $0x0  }
0xbf: {  	s15 =	simm.s32 $0x0;
	s0 =	simm.s32 $0x40;
	[sflag:s23] =	ssyncadd.s32 $0xFFFFE000  }
.LBB2_23:
0xc0: {  	p0 =	sne.s32 s0, $0x7FC0;
	v9 =	vld [tilespmem:s15+$0x18800]  }
0xc1: {  	v10 =	vld [tilespmem:s15+$0x18801];
	_ =	sdelay $0x3  }
0xc2: {  	v11 =	vsub.s32 v9, v3  }
0xc3: {  	vm0 =	vlt.u32 v11, $0x18800;
	vm1 =	vne.s32 v9, v10  }
0xc4: {  	v10 =	vand.u32 $0xFFFFFF80, v11;
	v9 =	vand.u32 $0x7F, v9;
	vm0 =	vmand vm1, vm0  }
0xc5: {  	v9 =	vor.u32 v9, v10;
	v11 =	vld [tilespmem:s15+$0x1A880]  }
.Ltmp16:
0xc6: {  	(pc) =	sbr.rel @p0 .LBB2_23-.Ltmp16, $2  }
0xc7: {  	_ =	sdelay $0x2  }
0xc8: {  	s15 =	sshra.s32 s0, $0x2;
	s0 =	sadd.s32 $0x40, s0;
	[tilespmem:v9+s1+$0x0] =	vst.idx.msk vm0, v11  }
0xc9: {  	v9 =	vld [tilespmem:s15+$0x18800]  }
0xca: {  	v10 =	vld [tilespmem:s15+$0x18801];
	_ =	sdelay $0x3  }
0xcb: {  	s31 =	sadd.s32 $0x1, s31;
	v11 =	vsub.s32 v9, v3  }
0xcc: {  	s0 =	sshll.u32 s31, $0xD;
	vm1 =	vne.s32 v9, v10;
	vm0 =	vlt.u32 v11, $0x18800  }
0xcd: {  	s0 =	sadd.s32 s29, s0;
	v9 =	vand.u32 $0x7F, v9;
	v10 =	vand.u32 $0xFFFFFF80, v11;
	vm0 =	vmand vm1, vm0  }
0xce: {  	p0 =	slt.s32 s0, s28;
	v11 =	vld [tilespmem:s15+$0x1A880];
	v9 =	vor.u32 v9, v10  }
.Ltmp17:
0xcf: {  	_ = 	snop;
	(pc) =	sbr.rel @p0 .LBB2_22-.Ltmp17, $2  }
0xd0: {  	_ =	sdelay $0x2  }
0xd1: {  	[tilespmem:v9+s1+$0x0] =	vst.idx.msk vm0, v11  }
.LBB2_25:
0xd2: {  	s0 =	simm.s32 $0x0  }
0xd3: {  	[hbm4b:s11+s0] =	stream.linear.scatter [tilespmem:s0], [sflag:$0x1], $0x18800, $0x38;
	[tilespmem:$0x1CA00] =	vst v63  }
0xd4: {  	_ =	swait.ge [sflag:s23], $0x18800  }
0xd5: {  	[sflag:s23] =	ssyncset.done $0x0  }
0xd6: {  	[sflag:s23] =	ssyncadd.s32 $0xFFFE7800  }
0xd7: {  	s15 =	simm.s32 $0x0;
	s0 =	simm.s32 $0x40;
	v9 =	vld [tilespmem:s7+$0x1C880]  }
.LBB2_26:
0xd8: {  	p0 =	seq.s32 s0, $0x61FC0;
	[tilespmem:s15+$0x0] =	vst v8;
	s15 =	smov.u32 s0;
	s0 =	sadd.s32 $0x40, s0  }
.Ltmp18:
0xd9: {  	(pc) =	sbr.rel @!p0 .LBB2_26-.Ltmp18, $2  }
0xda: {  	_ =	sdelay $0x2  }
0xdb: {  	s15 =	sshra.s32 s15, $0x2  }
0xdc: {  	(v2sf) =	vpush v9, $0x0  }
0xdd: {  	(v2sf) =	vpush v9, $0x1;
	_ =	sdelay $0xd  }
0xde: {  	s0 =	spop (v2sf)  }
0xdf: {  	s28 =	spop (v2sf);
	s29 =	sand.u32 $0xFFFFFFF8, s0  }
0xe0: {  	p0 =	slt.s32 s29, s28  }
.Ltmp19:
0xe1: {  	_ = 	snop;
	(pc) =	sbr.rel @!p0 .LBB2_31-.Ltmp19, $2  }
0xe2: {  	_ =	sdelay $0x2  }
0xe3: {  	[tilespmem:s15+$0x0] =	vst v8;
	s30 =	simm.s32 $0x0;
	s31 =	simm.s32 $0x0;
	s0 =	smov.u32 s29  }
.LBB2_28:
0xe4: {  	s0 =	sshrl.u32 s0, $0x3  }
0xe5: {  	s15 =	sadd.s32 s16, s0  }
0xe6: {  	[tilespmem:s24], [sflag:$0x1] =	stream.linear.gather [hbm4b:s15+s30], $0x2010, $0x38;
	[tilespmem:$0x1CA00] =	vst v63  }
0xe7: {  	_ =	swait.ge [sflag:s23], $0x2010  }
0xe8: {  	[sflag:s23] =	ssyncset.done $0x0  }
0xe9: {  	s0 =	sadd.s32 s19, s0;
	[sflag:s23] =	ssyncadd.s32 $0xFFFFDFF0  }
0xea: {  	[tilespmem:s25], [sflag:$0x1] =	stream.linear.gather [hbm4b:s0+s30], $0x2000, $0x38;
	[tilespmem:$0x1CA00] =	vst v63  }
0xeb: {  	_ =	swait.ge [sflag:s23], $0x2000  }
0xec: {  	[sflag:s23] =	ssyncset.done $0x0  }
0xed: {  	s15 =	simm.s32 $0x0;
	s0 =	simm.s32 $0x40;
	[sflag:s23] =	ssyncadd.s32 $0xFFFFE000  }
.LBB2_29:
0xee: {  	p0 =	sne.s32 s0, $0x7FC0;
	v9 =	vld [tilespmem:s15+$0x18800]  }
0xef: {  	v10 =	vld [tilespmem:s15+$0x18801];
	_ =	sdelay $0x3  }
0xf0: {  	v11 =	vsub.s32 v9, v4  }
0xf1: {  	vm0 =	vlt.u32 v11, $0x18800;
	vm1 =	vne.s32 v9, v10  }
0xf2: {  	v10 =	vand.u32 $0xFFFFFF80, v11;
	v9 =	vand.u32 $0x7F, v9;
	vm0 =	vmand vm1, vm0  }
0xf3: {  	v9 =	vor.u32 v9, v10;
	v11 =	vld [tilespmem:s15+$0x1A880]  }
.Ltmp20:
0xf4: {  	(pc) =	sbr.rel @p0 .LBB2_29-.Ltmp20, $2  }
0xf5: {  	_ =	sdelay $0x2  }
0xf6: {  	s15 =	sshra.s32 s0, $0x2;
	s0 =	sadd.s32 $0x40, s0;
	[tilespmem:v9+s1+$0x0] =	vst.idx.msk vm0, v11  }
0xf7: {  	v9 =	vld [tilespmem:s15+$0x18800]  }
0xf8: {  	v10 =	vld [tilespmem:s15+$0x18801];
	_ =	sdelay $0x3  }
0xf9: {  	s31 =	sadd.s32 $0x1, s31;
	v11 =	vsub.s32 v9, v4  }
0xfa: {  	s0 =	sshll.u32 s31, $0xD;
	vm1 =	vne.s32 v9, v10;
	vm0 =	vlt.u32 v11, $0x18800  }
0xfb: {  	s0 =	sadd.s32 s29, s0;
	v9 =	vand.u32 $0x7F, v9;
	v10 =	vand.u32 $0xFFFFFF80, v11;
	vm0 =	vmand vm1, vm0  }
0xfc: {  	p0 =	slt.s32 s0, s28;
	v11 =	vld [tilespmem:s15+$0x1A880];
	v9 =	vor.u32 v9, v10  }
.Ltmp21:
0xfd: {  	_ = 	snop;
	(pc) =	sbr.rel @p0 .LBB2_28-.Ltmp21, $2  }
0xfe: {  	_ =	sdelay $0x2  }
0xff: {  	[tilespmem:v9+s1+$0x0] =	vst.idx.msk vm0, v11  }
.LBB2_31:
0x100: {  	s0 =	simm.s32 $0x0  }
0x101: {  	[hbm4b:s13+s0] =	stream.linear.scatter [tilespmem:s0], [sflag:$0x1], $0x18800, $0x38;
	[tilespmem:$0x1CA00] =	vst v63  }
0x102: {  	_ =	swait.ge [sflag:s23], $0x18800  }
0x103: {  	[sflag:s23] =	ssyncset.done $0x0  }
0x104: {  	[sflag:s23] =	ssyncadd.s32 $0xFFFE7800  }
0x105: {  	s15 =	simm.s32 $0x0;
	s0 =	simm.s32 $0x40;
	v9 =	vld [tilespmem:s9+$0x1C880]  }
.LBB2_32:
0x106: {  	p0 =	seq.s32 s0, $0x61FC0;
	[tilespmem:s15+$0x0] =	vst v8;
	s15 =	smov.u32 s0;
	s0 =	sadd.s32 $0x40, s0  }
.Ltmp22:
0x107: {  	(pc) =	sbr.rel @!p0 .LBB2_32-.Ltmp22, $2  }
0x108: {  	_ =	sdelay $0x2  }
0x109: {  	s15 =	sshra.s32 s15, $0x2  }
0x10a: {  	(v2sf) =	vpush v9, $0x0  }
0x10b: {  	(v2sf) =	vpush v9, $0x1;
	_ =	sdelay $0xd  }
0x10c: {  	s0 =	spop (v2sf)  }
0x10d: {  	s28 =	spop (v2sf);
	s29 =	sand.u32 $0xFFFFFFF8, s0  }
0x10e: {  	p0 =	slt.s32 s29, s28  }
.Ltmp23:
0x10f: {  	_ = 	snop;
	(pc) =	sbr.rel @!p0 .LBB2_37-.Ltmp23, $2  }
0x110: {  	_ =	sdelay $0x2  }
0x111: {  	[tilespmem:s15+$0x0] =	vst v8;
	s30 =	simm.s32 $0x0;
	s31 =	simm.s32 $0x0;
	s0 =	smov.u32 s29  }
.LBB2_34:
0x112: {  	s0 =	sshrl.u32 s0, $0x3  }
0x113: {  	s15 =	sadd.s32 s16, s0  }
0x114: {  	[tilespmem:s24], [sflag:$0x1] =	stream.linear.gather [hbm4b:s15+s30], $0x2010, $0x38;
	[tilespmem:$0x1CA00] =	vst v63  }
0x115: {  	_ =	swait.ge [sflag:s23], $0x2010  }
0x116: {  	[sflag:s23] =	ssyncset.done $0x0  }
0x117: {  	s0 =	sadd.s32 s19, s0;
	[sflag:s23] =	ssyncadd.s32 $0xFFFFDFF0  }
0x118: {  	[tilespmem:s25], [sflag:$0x1] =	stream.linear.gather [hbm4b:s0+s30], $0x2000, $0x38;
	[tilespmem:$0x1CA00] =	vst v63  }
0x119: {  	_ =	swait.ge [sflag:s23], $0x2000  }
0x11a: {  	[sflag:s23] =	ssyncset.done $0x0  }
0x11b: {  	s15 =	simm.s32 $0x0;
	s0 =	simm.s32 $0x40;
	[sflag:s23] =	ssyncadd.s32 $0xFFFFE000  }
.LBB2_35:
0x11c: {  	p0 =	sne.s32 s0, $0x7FC0;
	v9 =	vld [tilespmem:s15+$0x18800]  }
0x11d: {  	v10 =	vld [tilespmem:s15+$0x18801];
	_ =	sdelay $0x3  }
0x11e: {  	v11 =	vsub.s32 v9, v5  }
0x11f: {  	vm0 =	vlt.u32 v11, $0x18800;
	vm1 =	vne.s32 v9, v10  }
0x120: {  	v10 =	vand.u32 $0xFFFFFF80, v11;
	v9 =	vand.u32 $0x7F, v9;
	vm0 =	vmand vm1, vm0  }
0x121: {  	v9 =	vor.u32 v9, v10;
	v11 =	vld [tilespmem:s15+$0x1A880]  }
.Ltmp24:
0x122: {  	(pc) =	sbr.rel @p0 .LBB2_35-.Ltmp24, $2  }
0x123: {  	_ =	sdelay $0x2  }
0x124: {  	s15 =	sshra.s32 s0, $0x2;
	s0 =	sadd.s32 $0x40, s0;
	[tilespmem:v9+s1+$0x0] =	vst.idx.msk vm0, v11  }
0x125: {  	v9 =	vld [tilespmem:s15+$0x18800]  }
0x126: {  	v10 =	vld [tilespmem:s15+$0x18801];
	_ =	sdelay $0x3  }
0x127: {  	s31 =	sadd.s32 $0x1, s31;
	v11 =	vsub.s32 v9, v5  }
0x128: {  	s0 =	sshll.u32 s31, $0xD;
	vm1 =	vne.s32 v9, v10;
	vm0 =	vlt.u32 v11, $0x18800  }
0x129: {  	s0 =	sadd.s32 s29, s0;
	v9 =	vand.u32 $0x7F, v9;
	v10 =	vand.u32 $0xFFFFFF80, v11;
	vm0 =	vmand vm1, vm0  }
0x12a: {  	p0 =	slt.s32 s0, s28;
	v11 =	vld [tilespmem:s15+$0x1A880];
	v9 =	vor.u32 v9, v10  }
.Ltmp25:
0x12b: {  	_ = 	snop;
	(pc) =	sbr.rel @p0 .LBB2_34-.Ltmp25, $2  }
0x12c: {  	_ =	sdelay $0x2  }
0x12d: {  	[tilespmem:v9+s1+$0x0] =	vst.idx.msk vm0, v11  }
.LBB2_37:
0x12e: {  	s0 =	simm.s32 $0x0  }
0x12f: {  	[hbm4b:s14+s0] =	stream.linear.scatter [tilespmem:s0], [sflag:$0x1], $0x18800, $0x38;
	[tilespmem:$0x1CA00] =	vst v63  }
0x130: {  	_ =	swait.ge [sflag:s23], $0x18800  }
0x131: {  	[sflag:s23] =	ssyncset.done $0x0  }
0x132: {  	[sflag:s23] =	ssyncadd.s32 $0xFFFE7800  }
0x133: {  	s15 =	simm.s32 $0x0;
	s0 =	simm.s32 $0x40;
	v9 =	vld [tilespmem:s12+$0x1C880]  }
.LBB2_38:
0x134: {  	p0 =	seq.s32 s0, $0x61FC0;
	[tilespmem:s15+$0x0] =	vst v8;
	s15 =	smov.u32 s0;
	s0 =	sadd.s32 $0x40, s0  }
.Ltmp26:
0x135: {  	(pc) =	sbr.rel @!p0 .LBB2_38-.Ltmp26, $2  }
0x136: {  	_ =	sdelay $0x2  }
0x137: {  	s15 =	sshra.s32 s15, $0x2  }
0x138: {  	(v2sf) =	vpush v9, $0x0  }
0x139: {  	(v2sf) =	vpush v9, $0x1;
	_ =	sdelay $0xd  }
0x13a: {  	s0 =	spop (v2sf)  }
0x13b: {  	s28 =	spop (v2sf);
	s29 =	sand.u32 $0xFFFFFFF8, s0  }
0x13c: {  	p0 =	slt.s32 s29, s28  }
.Ltmp27:
0x13d: {  	_ = 	snop;
	(pc) =	sbr.rel @!p0 .LBB2_43-.Ltmp27, $2  }
0x13e: {  	_ =	sdelay $0x2  }
0x13f: {  	[tilespmem:s15+$0x0] =	vst v8;
	s30 =	simm.s32 $0x0;
	s31 =	simm.s32 $0x0;
	s0 =	smov.u32 s29  }
.LBB2_40:
0x140: {  	s0 =	sshrl.u32 s0, $0x3  }
0x141: {  	s15 =	sadd.s32 s16, s0  }
0x142: {  	[tilespmem:s24], [sflag:$0x1] =	stream.linear.gather [hbm4b:s15+s30], $0x2010, $0x38;
	[tilespmem:$0x1CA00] =	vst v63  }
0x143: {  	_ =	swait.ge [sflag:s23], $0x2010  }
0x144: {  	[sflag:s23] =	ssyncset.done $0x0  }
0x145: {  	s0 =	sadd.s32 s19, s0;
	[sflag:s23] =	ssyncadd.s32 $0xFFFFDFF0  }
0x146: {  	[tilespmem:s25], [sflag:$0x1] =	stream.linear.gather [hbm4b:s0+s30], $0x2000, $0x38;
	[tilespmem:$0x1CA00] =	vst v63  }
0x147: {  	_ =	swait.ge [sflag:s23], $0x2000  }
0x148: {  	[sflag:s23] =	ssyncset.done $0x0  }
0x149: {  	s15 =	simm.s32 $0x0;
	s0 =	simm.s32 $0x40;
	[sflag:s23] =	ssyncadd.s32 $0xFFFFE000  }
.LBB2_41:
0x14a: {  	p0 =	sne.s32 s0, $0x7FC0;
	v9 =	vld [tilespmem:s15+$0x18800]  }
0x14b: {  	v10 =	vld [tilespmem:s15+$0x18801];
	_ =	sdelay $0x3  }
0x14c: {  	v11 =	vsub.s32 v9, v6  }
0x14d: {  	vm0 =	vlt.u32 v11, $0x18800;
	vm1 =	vne.s32 v9, v10  }
0x14e: {  	v10 =	vand.u32 $0xFFFFFF80, v11;
	v9 =	vand.u32 $0x7F, v9;
	vm0 =	vmand vm1, vm0  }
0x14f: {  	v9 =	vor.u32 v9, v10;
	v11 =	vld [tilespmem:s15+$0x1A880]  }
.Ltmp28:
0x150: {  	(pc) =	sbr.rel @p0 .LBB2_41-.Ltmp28, $2  }
0x151: {  	_ =	sdelay $0x2  }
0x152: {  	s15 =	sshra.s32 s0, $0x2;
	s0 =	sadd.s32 $0x40, s0;
	[tilespmem:v9+s1+$0x0] =	vst.idx.msk vm0, v11  }
0x153: {  	v9 =	vld [tilespmem:s15+$0x18800]  }
0x154: {  	v10 =	vld [tilespmem:s15+$0x18801];
	_ =	sdelay $0x3  }
0x155: {  	s31 =	sadd.s32 $0x1, s31;
	v11 =	vsub.s32 v9, v6  }
0x156: {  	s0 =	sshll.u32 s31, $0xD;
	vm1 =	vne.s32 v9, v10;
	vm0 =	vlt.u32 v11, $0x18800  }
0x157: {  	s0 =	sadd.s32 s29, s0;
	v9 =	vand.u32 $0x7F, v9;
	v10 =	vand.u32 $0xFFFFFF80, v11;
	vm0 =	vmand vm1, vm0  }
0x158: {  	p0 =	slt.s32 s0, s28;
	v11 =	vld [tilespmem:s15+$0x1A880];
	v9 =	vor.u32 v9, v10  }
.Ltmp29:
0x159: {  	_ = 	snop;
	(pc) =	sbr.rel @p0 .LBB2_40-.Ltmp29, $2  }
0x15a: {  	_ =	sdelay $0x2  }
0x15b: {  	[tilespmem:v9+s1+$0x0] =	vst.idx.msk vm0, v11  }
.LBB2_43:
0x15c: {  	s0 =	simm.s32 $0x0  }
0x15d: {  	[hbm4b:s17+s0] =	stream.linear.scatter [tilespmem:s0], [sflag:$0x1], $0x18800, $0x38;
	[tilespmem:$0x1CA00] =	vst v63  }
0x15e: {  	_ =	swait.ge [sflag:s23], $0x18800  }
0x15f: {  	[sflag:s23] =	ssyncset.done $0x0  }
0x160: {  	[sflag:s23] =	ssyncadd.s32 $0xFFFE7800  }
0x161: {  	s15 =	simm.s32 $0x0;
	s0 =	simm.s32 $0x40;
	v9 =	vld [tilespmem:s2+$0x1C887]  }
.LBB2_44:
0x162: {  	p0 =	seq.s32 s0, $0x61FC0;
	[tilespmem:s15+$0x0] =	vst v8;
	s15 =	smov.u32 s0;
	s0 =	sadd.s32 $0x40, s0  }
.Ltmp30:
0x163: {  	(pc) =	sbr.rel @!p0 .LBB2_44-.Ltmp30, $2  }
0x164: {  	_ =	sdelay $0x2  }
0x165: {  	s15 =	sshra.s32 s15, $0x2  }
0x166: {  	(v2sf) =	vpush v9, $0x0  }
0x167: {  	(v2sf) =	vpush v9, $0x1;
	_ =	sdelay $0xd  }
0x168: {  	s0 =	spop (v2sf)  }
0x169: {  	s28 =	spop (v2sf);
	s29 =	sand.u32 $0xFFFFFFF8, s0  }
0x16a: {  	p0 =	slt.s32 s29, s28  }
.Ltmp31:
0x16b: {  	_ = 	snop;
	(pc) =	sbr.rel @!p0 .LBB2_49-.Ltmp31, $2  }
0x16c: {  	_ =	sdelay $0x2  }
0x16d: {  	[tilespmem:s15+$0x0] =	vst v8;
	s30 =	simm.s32 $0x0;
	s31 =	simm.s32 $0x0;
	s0 =	smov.u32 s29  }
.LBB2_46:
0x16e: {  	s0 =	sshrl.u32 s0, $0x3  }
0x16f: {  	s15 =	sadd.s32 s16, s0  }
0x170: {  	[tilespmem:s24], [sflag:$0x1] =	stream.linear.gather [hbm4b:s15+s30], $0x2010, $0x38;
	[tilespmem:$0x1CA00] =	vst v63  }
0x171: {  	_ =	swait.ge [sflag:s23], $0x2010  }
0x172: {  	[sflag:s23] =	ssyncset.done $0x0  }
0x173: {  	s0 =	sadd.s32 s19, s0;
	[sflag:s23] =	ssyncadd.s32 $0xFFFFDFF0  }
0x174: {  	[tilespmem:s25], [sflag:$0x1] =	stream.linear.gather [hbm4b:s0+s30], $0x2000, $0x38;
	[tilespmem:$0x1CA00] =	vst v63  }
0x175: {  	_ =	swait.ge [sflag:s23], $0x2000  }
0x176: {  	[sflag:s23] =	ssyncset.done $0x0  }
0x177: {  	s15 =	simm.s32 $0x0;
	s0 =	simm.s32 $0x40;
	[sflag:s23] =	ssyncadd.s32 $0xFFFFE000  }
.LBB2_47:
0x178: {  	p0 =	sne.s32 s0, $0x7FC0;
	v9 =	vld [tilespmem:s15+$0x18800]  }
0x179: {  	v10 =	vld [tilespmem:s15+$0x18801];
	_ =	sdelay $0x3  }
0x17a: {  	v11 =	vsub.s32 v9, v7  }
0x17b: {  	vm0 =	vlt.u32 v11, $0x18800;
	vm1 =	vne.s32 v9, v10  }
0x17c: {  	v10 =	vand.u32 $0xFFFFFF80, v11;
	v9 =	vand.u32 $0x7F, v9;
	vm0 =	vmand vm1, vm0  }
0x17d: {  	v9 =	vor.u32 v9, v10;
	v11 =	vld [tilespmem:s15+$0x1A880]  }
.Ltmp32:
0x17e: {  	(pc) =	sbr.rel @p0 .LBB2_47-.Ltmp32, $2  }
0x17f: {  	_ =	sdelay $0x2  }
0x180: {  	s15 =	sshra.s32 s0, $0x2;
	s0 =	sadd.s32 $0x40, s0;
	[tilespmem:v9+s1+$0x0] =	vst.idx.msk vm0, v11  }
0x181: {  	v9 =	vld [tilespmem:s15+$0x18800]  }
0x182: {  	v10 =	vld [tilespmem:s15+$0x18801];
	_ =	sdelay $0x3  }
0x183: {  	s31 =	sadd.s32 $0x1, s31;
	v11 =	vsub.s32 v9, v7  }
0x184: {  	s0 =	sshll.u32 s31, $0xD;
	vm1 =	vne.s32 v9, v10;
	vm0 =	vlt.u32 v11, $0x18800  }
0x185: {  	s0 =	sadd.s32 s29, s0;
	v9 =	vand.u32 $0x7F, v9;
	v10 =	vand.u32 $0xFFFFFF80, v11;
	vm0 =	vmand vm1, vm0  }
0x186: {  	p0 =	slt.s32 s0, s28;
	v11 =	vld [tilespmem:s15+$0x1A880];
	v9 =	vor.u32 v9, v10  }
.Ltmp33:
0x187: {  	_ = 	snop;
	(pc) =	sbr.rel @p0 .LBB2_46-.Ltmp33, $4  }
.Ltmp34:
0x188: {  	_ = 	snop;
	(pc) =	sbr.rel @!p0 .LBB2_49-.Ltmp34, $4  }
0x189: {  	_ = 	snop  }
0x18a: {  	_ = 	snop  }
0x18b: {  	[tilespmem:v9+s1+$0x0] =	vst.idx.msk vm0, v11  }
0x18c: {  	_ = 	snop  }
.LBB2_50:
0x18d: {  	_ =	sfence.sel $0x180000  }
0x18e: {  	[bflag:$0x0] =	sbarrier.arrive $0xFFFF  }
0x18f: {  	_ =	strace $0x90000047  }
0x190: {  	s0 =	stileid.u32;
	[bflag:$0x2] =	sbarrier.arrive $0xFFFF  }
0x191: {  	p0 =	sne.s32 s0, $0x0;
	s0 =	rddreg [dreg:$0x2]  }
0x192: {  	s0 =	sadd.s32 @!p0 $0x100000, s0  }
0x193: {  	[sflag:s0] =	ssyncadd.tile.s32 @!p0 $0x1;
	_ =	shalt  }
.Lfunc_end2:
_tile_overlayer_lowered:
.L_overlay_start_2:
0x194: {  	(tag) =	ssettag $0x2  }
0x195: {  	s0 =	rddreg [dreg:$0x0];
	s2 =	stileid.u32  }
0x196: {  	s1 =	rddreg [dreg:$0x1];
	p0 =	sne.s32 s2, $0x0  }
0x197: {  	s3 =	rddreg [dreg:$0x2];
	[bflag:$0x3] =	sbarrier.arrive $0xFFFF;
	s2 =	simm.s32 @!p0 $0x1C01  }
0x198: {  	[timem:s3], [sflag:s2] =	dma.local @!p0 [hbm:s0], s1  }
0x199: {  	s0 =	simm.s32 @!p0 $0x1  }
0x19a: {  	_ =	swait.ge @!p0 [sflag:s0], s1  }
0x19b: {  	s1 =	ssub.s32 @!p0 $0x0, s1;
	[sflag:s0] =	ssyncset.done @!p0 $0x0  }
0x19c: {  	[sflag:s0] =	ssyncadd.s32 @!p0 s1  }
0x19d: {  	[bflag:$0x3] =	sbarrier.arrive $0xFFFF  }
0x19e: {  	_ =	shalt  }

</sc_bundles>
